<compile_context>
chip_gen: v7x
topology: tpu7x:2x2x1
jax: 0.10.2.dev20260603
libtpu: 0.0.44.dev20260713+nightly
codegen_flags: <defaults>
</compile_context>

<pallas_src>
import functools

import jax
import jax.numpy as jnp
from jax import lax
from jax.experimental import pallas as pl
from jax.experimental.pallas import tpu as pltpu
from jax.experimental.pallas import tpu_sc as plsc

MAX_LEN = 200
BATCH = 4096
HIDDEN = 64
PAD_H = 128
NUM_ROWS = MAX_LEN * BATCH

_NC = 2
_NS = 16
_NW = _NC * _NS
_SEG = 256
_SEG_PER_ROW = BATCH // _SEG
_NUNITS = MAX_LEN * _SEG_PER_ROW
_UNITS_PER_W = _NUNITS // _NW
_NBUF = 2
_IRING = 4


def _make_gather():
    mesh = plsc.VectorSubcoreMesh(core_axis_name="c", subcore_axis_name="s")

    @functools.partial(
        pl.kernel,
        mesh=mesh,
        out_type=jax.ShapeDtypeStruct((NUM_ROWS, PAD_H), jnp.float32),
        compiler_params=pltpu.CompilerParams(
            use_tc_tiling_on_sc=False,
            skip_device_barrier=True,
            disable_bounds_checks=True,
            disable_semaphore_checks=True,
        ),
        scratch_types=[
            pltpu.VMEM((_IRING, _SEG), jnp.int32),
            pltpu.VMEM((_NBUF, _SEG, PAD_H), jnp.float32),
            pltpu.SemaphoreType.DMA((_IRING,)),
            pltpu.SemaphoreType.DMA((_NBUF,)),
            pltpu.SemaphoreType.DMA((_NBUF,)),
        ],
    )
    def gather(idx_hbm, table_hbm, out_hbm, idx_v, rows_v, isem, gsem, wsem):
        wid = lax.axis_index("s") * _NC + lax.axis_index("c")

        def unit_tq(j):
            u = wid + j * _NW
            return u // _SEG_PER_ROW, u % _SEG_PER_ROW

        def start_idx(j, s):
            t, q = unit_tq(j)
            pltpu.async_copy(
                idx_hbm.at[t, pl.ds(q * _SEG, _SEG)], idx_v.at[s], isem.at[s]
            )

        def wait_idx(s):
            pltpu.make_async_copy(
                idx_hbm.at[0, pl.ds(0, _SEG)], idx_v.at[s], isem.at[s]
            ).wait()

        def start_gather(j, s, b):
            pltpu.async_copy(table_hbm.at[idx_v.at[s]], rows_v.at[b], gsem.at[b])

        def wait_gather(b):
            pltpu.make_async_copy(
                table_hbm.at[idx_v.at[0]], rows_v.at[b], gsem.at[b]
            ).wait()

        def start_write(j, b):
            u = wid + j * _NW
            pltpu.async_copy(
                rows_v.at[b, pl.ds(0, _SEG), pl.ds(0, HIDDEN)],
                out_hbm.at[pl.ds(u * _SEG, _SEG), pl.ds(0, HIDDEN)],
                wsem.at[b],
            )

        def wait_write(b):
            pltpu.make_async_copy(
                rows_v.at[b, pl.ds(0, _SEG), pl.ds(0, HIDDEN)],
                out_hbm.at[pl.ds(0, _SEG), pl.ds(0, HIDDEN)],
                wsem.at[b],
            ).wait()

        n = _UNITS_PER_W

        start_idx(0, 0)
        start_idx(1, 1)

        wait_idx(0)
        start_gather(0, 0, 0)
        start_idx(2, 2)
        wait_idx(1)
        start_gather(1, 1, 1)
        start_idx(3, 3)
        wait_gather(0)
        start_write(0, 0)

        def group(g, _):
            for k in range(4):
                j = 2 + g * 4 + k
                s, b = (2 + k) % 4, k % 2
                wait_idx(s)
                wait_write(b)
                start_gather(j, s, b)
                start_idx(j + 2, k % 4)
                wait_gather(1 - b)
                start_write(j - 1, 1 - b)
            return 0

        lax.fori_loop(0, (n - 4) // 4, group, 0)

        wait_idx(2)
        wait_write(0)
        start_gather(n - 2, 2, 0)
        wait_gather(1)
        start_write(n - 3, 1)
        wait_idx(3)
        wait_write(1)
        start_gather(n - 1, 3, 1)
        wait_gather(0)
        start_write(n - 2, 0)
        wait_gather(1)
        start_write(n - 1, 1)
        wait_write(0)
        wait_write(1)

    return gather


_gather = _make_gather()


def kernel(event_activities, activity_embedding):
    table_pad = jnp.pad(activity_embedding, ((0, 0), (0, PAD_H - HIDDEN)))
    out_wide = _gather(event_activities, table_pad)
    return out_wide.reshape(MAX_LEN, BATCH, PAD_H)[:, :, :HIDDEN]

# --- scband reference (transcript-rebuilt; emitter-appended) ---
"""Pipeline reference for scband-base-embedder-32684701122856 (READ-ONLY COPY).

The authoritative reference and input builder live on the scoring server;
editing this copy changes nothing except your own understanding.
"""

import jax, jax.numpy as jnp
import numpy as np

NUM_ACTIVITIES = 1000000
HIDDEN_SIZE = 64
MAX_LEN = 200
BATCH = 4096


def setup_inputs(seed: int = 0) -> dict:
    key = jax.random.key(seed)
    k1, k2 = jax.random.split(key)
    event_activities = jax.random.randint(k1, (MAX_LEN, BATCH), 0, NUM_ACTIVITIES, dtype=jnp.int64 if jax.config.jax_enable_x64 else jnp.int32)
    activity_embedding = jax.random.normal(k2, (NUM_ACTIVITIES, HIDDEN_SIZE), dtype=jnp.float32) * 0.02
    return {"event_activities": event_activities, "activity_embedding": activity_embedding}


def reference(event_activities, activity_embedding):
    # BaseEmbedder.forward with event_times=None: pure embedding lookup.
    # (code after the first return in the original forward is dead code)
    event_activities_embeddings = jnp.take(activity_embedding, event_activities, axis=0)
    return event_activities_embeddings

if __name__ == "__main__":
    import jax
    _d = setup_inputs()
    print(jax.jit(kernel)(*tuple(_d.values())))

</pallas_src>

<mosaic_0001>
#map = affine_map<(d0, d1) -> (0, 0)>
module attributes {stable_mosaic.version = 14 : i64} {
  func.func @gather(%arg0: i32, %arg1: i32, %arg2: memref<200x4096xi32, #tpu.memory_space<hbm>>, %arg3: memref<1000000x128xf32, #tpu.memory_space<hbm>>, %arg4: memref<819200x128xf32, #tpu.memory_space<hbm>>, %arg5: memref<4x256xi32, #tpu.memory_space<vmem>>, %arg6: memref<2x256x128xf32, #tpu.memory_space<vmem>>, %arg7: memref<4x!tpu.dma_semaphore, #tpu.memory_space<semaphore_mem>>, %arg8: memref<2x!tpu.dma_semaphore, #tpu.memory_space<semaphore_mem>>, %arg9: memref<2x!tpu.dma_semaphore, #tpu.memory_space<semaphore_mem>>) attributes {dimension_semantics = [#tpu.dimension_semantics<core_parallel>, #tpu.dimension_semantics<subcore_parallel>], iteration_bounds = array<i64: 2, 16>, scalar_prefetch = 0 : i64, scratch_operands = 5 : i64, tpu.core_type = #tpu.core_type<sc_vector_subcore>, window_params = [{transform_indices = #map}, {transform_indices = #map}, {transform_indices = #map}]} {
    %mul3A = arith.constant 2 : i32
    %mul3A_0 = arith.muli %arg1, %mul3A : i32
    %add3A = arith.addi %mul3A_0, %arg0 : i32
    %add3A_1 = arith.constant 0 : i32
    %add3A_2 = arith.addi %add3A, %add3A_1 : i32
    %jit3A = arith.constant 16 : i32
    %div3A = arith.divsi %add3A_2, %jit3A : i32
    %sign3A = arith.constant 0 : i32
    %sign3A_3 = arith.cmpi sgt, %add3A_2, %sign3A : i32
    %sign3A_4 = arith.extui %sign3A_3 : i1 to i32
    %sign3A_5 = arith.constant 0 : i32
    %sign3A_6 = arith.cmpi slt, %add3A_2, %sign3A_5 : i32
    %sign3A_7 = arith.extui %sign3A_6 : i1 to i32
    %sign3A_8 = arith.subi %sign3A_4, %sign3A_7 : i32
    %sign3A_9 = arith.constant 0 : i32
    %sign3A_10 = arith.cmpi sgt, %jit3A, %sign3A_9 : i32
    %sign3A_11 = arith.extui %sign3A_10 : i1 to i32
    %sign3A_12 = arith.constant 0 : i32
    %sign3A_13 = arith.cmpi slt, %jit3A, %sign3A_12 : i32
    %sign3A_14 = arith.extui %sign3A_13 : i1 to i32
    %sign3A_15 = arith.subi %sign3A_11, %sign3A_14 : i32
    %ne3A = arith.cmpi ne, %sign3A_8, %sign3A_15 : i32
    %rem3A = arith.remsi %add3A_2, %jit3A : i32
    %ne3A_16 = arith.constant 0 : i32
    %ne3A_17 = arith.cmpi ne, %rem3A, %ne3A_16 : i32
    %and3A = arith.andi %ne3A, %ne3A_17 : i1
    %sub3A = arith.constant 1 : i32
    %sub3A_18 = arith.subi %div3A, %sub3A : i32
    %select_n3A = arith.select %and3A, %sub3A_18, %div3A : i32
    %jit3A_19 = arith.constant 16 : i32
    %eq3A = arith.constant 0 : i32
    %eq3A_20 = arith.cmpi eq, %jit3A_19, %eq3A : i32
    %jit3A_21 = arith.constant 1 : i32
    %select_n3A_22 = arith.select %eq3A_20, %jit3A_21, %jit3A_19 : i32
    %rem3A_23 = arith.remsi %add3A_2, %select_n3A_22 : i32
    %ne3A_24 = arith.constant 0 : i32
    %ne3A_25 = arith.cmpi ne, %rem3A_23, %ne3A_24 : i32
    %lt3A = arith.constant 0 : i32
    %lt3A_26 = arith.cmpi slt, %rem3A_23, %lt3A : i32
    %lt3A_27 = arith.constant 0 : i32
    %lt3A_28 = arith.cmpi slt, %select_n3A_22, %lt3A_27 : i32
    %ne3A_29 = arith.xori %lt3A_26, %lt3A_28 : i1
    %and3A_30 = arith.andi %ne3A_29, %ne3A_25 : i1
    %add3A_31 = arith.addi %rem3A_23, %select_n3A_22 : i32
    %select_n3A_32 = arith.select %and3A_30, %add3A_31, %rem3A_23 : i32
    %mul3A_33 = arith.constant 256 : i32
    %mul3A_34 = arith.muli %select_n3A_32, %mul3A_33 : i32
    %dma_start3A = arith.constant 0 : i32
    %dma_start3A_35 = arith.constant 0 : i32
    %dma_start3A_36 = arith.constant 0 : i32
    %dma_start3A_37 = tpu.memref_slice %arg5[%dma_start3A, %dma_start3A_36] : memref<4x256xi32, #tpu.memory_space<vmem>> -> memref<1x256xi32, #tpu.memory_space<vmem>>
    %dma_start3A_38 = tpu.memref_squeeze %dma_start3A_37 : memref<1x256xi32, #tpu.memory_space<vmem>> -> memref<256xi32, #tpu.memory_space<vmem>>
    %dma_start3A_39 = tpu.memref_slice %arg2[%select_n3A, %mul3A_34] : memref<200x4096xi32, #tpu.memory_space<hbm>> -> memref<1x256xi32, #tpu.memory_space<hbm>>
    %dma_start3A_40 = tpu.memref_squeeze %dma_start3A_39 : memref<1x256xi32, #tpu.memory_space<hbm>> -> memref<256xi32, #tpu.memory_space<hbm>>
    %dma_start3A_41 = tpu.memref_slice %arg7[%dma_start3A_35] : memref<4x!tpu.dma_semaphore, #tpu.memory_space<semaphore_mem>> -> memref<1x!tpu.dma_semaphore, #tpu.memory_space<semaphore_mem>>
    %dma_start3A_42 = tpu.memref_squeeze %dma_start3A_41 : memref<1x!tpu.dma_semaphore, #tpu.memory_space<semaphore_mem>> -> memref<!tpu.dma_semaphore, #tpu.memory_space<semaphore_mem>>
    %dma_start3A_43 = arith.constant 0 : i32
    %dma_start3A_44 = tpu.memref_slice %arg5[%dma_start3A, %dma_start3A_43] : memref<4x256xi32, #tpu.memory_space<vmem>> -> memref<1x256xi32, #tpu.memory_space<vmem>>
    %dma_start3A_45 = tpu.memref_squeeze %dma_start3A_44 : memref<1x256xi32, #tpu.memory_space<vmem>> -> memref<256xi32, #tpu.memory_space<vmem>>
    %dma_start3A_46 = tpu.memref_slice %arg2[%select_n3A, %mul3A_34] : memref<200x4096xi32, #tpu.memory_space<hbm>> -> memref<1x256xi32, #tpu.memory_space<hbm>>
    %dma_start3A_47 = tpu.memref_squeeze %dma_start3A_46 : memref<1x256xi32, #tpu.memory_space<hbm>> -> memref<256xi32, #tpu.memory_space<hbm>>
    tpu.enqueue_dma source(%dma_start3A_47 : memref<256xi32, #tpu.memory_space<hbm>>) target(%dma_start3A_45 : memref<256xi32, #tpu.memory_space<vmem>>) target_semaphore(%dma_start3A_42 : memref<!tpu.dma_semaphore, #tpu.memory_space<semaphore_mem>>)
    %add3A_48 = arith.constant 32 : i32
    %add3A_49 = arith.addi %add3A, %add3A_48 : i32
    %jit3A_50 = arith.constant 16 : i32
    %div3A_51 = arith.divsi %add3A_49, %jit3A_50 : i32
    %sign3A_52 = arith.constant 0 : i32
    %sign3A_53 = arith.cmpi sgt, %add3A_49, %sign3A_52 : i32
    %sign3A_54 = arith.extui %sign3A_53 : i1 to i32
    %sign3A_55 = arith.constant 0 : i32
    %sign3A_56 = arith.cmpi slt, %add3A_49, %sign3A_55 : i32
    %sign3A_57 = arith.extui %sign3A_56 : i1 to i32
    %sign3A_58 = arith.subi %sign3A_54, %sign3A_57 : i32
    %sign3A_59 = arith.constant 0 : i32
    %sign3A_60 = arith.cmpi sgt, %jit3A_50, %sign3A_59 : i32
    %sign3A_61 = arith.extui %sign3A_60 : i1 to i32
    %sign3A_62 = arith.constant 0 : i32
    %sign3A_63 = arith.cmpi slt, %jit3A_50, %sign3A_62 : i32
    %sign3A_64 = arith.extui %sign3A_63 : i1 to i32
    %sign3A_65 = arith.subi %sign3A_61, %sign3A_64 : i32
    %ne3A_66 = arith.cmpi ne, %sign3A_58, %sign3A_65 : i32
    %rem3A_67 = arith.remsi %add3A_49, %jit3A_50 : i32
    %ne3A_68 = arith.constant 0 : i32
    %ne3A_69 = arith.cmpi ne, %rem3A_67, %ne3A_68 : i32
    %and3A_70 = arith.andi %ne3A_66, %ne3A_69 : i1
    %sub3A_71 = arith.constant 1 : i32
    %sub3A_72 = arith.subi %div3A_51, %sub3A_71 : i32
    %select_n3A_73 = arith.select %and3A_70, %sub3A_72, %div3A_51 : i32
    %jit3A_74 = arith.constant 16 : i32
    %eq3A_75 = arith.constant 0 : i32
    %eq3A_76 = arith.cmpi eq, %jit3A_74, %eq3A_75 : i32
    %jit3A_77 = arith.constant 1 : i32
    %select_n3A_78 = arith.select %eq3A_76, %jit3A_77, %jit3A_74 : i32
    %rem3A_79 = arith.remsi %add3A_49, %select_n3A_78 : i32
    %ne3A_80 = arith.constant 0 : i32
    %ne3A_81 = arith.cmpi ne, %rem3A_79, %ne3A_80 : i32
    %lt3A_82 = arith.constant 0 : i32
    %lt3A_83 = arith.cmpi slt, %rem3A_79, %lt3A_82 : i32
    %lt3A_84 = arith.constant 0 : i32
    %lt3A_85 = arith.cmpi slt, %select_n3A_78, %lt3A_84 : i32
    %ne3A_86 = arith.xori %lt3A_83, %lt3A_85 : i1
    %and3A_87 = arith.andi %ne3A_86, %ne3A_81 : i1
    %add3A_88 = arith.addi %rem3A_79, %select_n3A_78 : i32
    %select_n3A_89 = arith.select %and3A_87, %add3A_88, %rem3A_79 : i32
    %mul3A_90 = arith.constant 256 : i32
    %mul3A_91 = arith.muli %select_n3A_89, %mul3A_90 : i32
    %dma_start3A_92 = arith.constant 1 : i32
    %dma_start3A_93 = arith.constant 1 : i32
    %dma_start3A_94 = arith.constant 0 : i32
    %dma_start3A_95 = tpu.memref_slice %arg5[%dma_start3A_92, %dma_start3A_94] : memref<4x256xi32, #tpu.memory_space<vmem>> -> memref<1x256xi32, #tpu.memory_space<vmem>>
    %dma_start3A_96 = tpu.memref_squeeze %dma_start3A_95 : memref<1x256xi32, #tpu.memory_space<vmem>> -> memref<256xi32, #tpu.memory_space<vmem>>
    %dma_start3A_97 = tpu.memref_slice %arg2[%select_n3A_73, %mul3A_91] : memref<200x4096xi32, #tpu.memory_space<hbm>> -> memref<1x256xi32, #tpu.memory_space<hbm>>
    %dma_start3A_98 = tpu.memref_squeeze %dma_start3A_97 : memref<1x256xi32, #tpu.memory_space<hbm>> -> memref<256xi32, #tpu.memory_space<hbm>>
    %dma_start3A_99 = tpu.memref_slice %arg7[%dma_start3A_93] : memref<4x!tpu.dma_semaphore, #tpu.memory_space<semaphore_mem>> -> memref<1x!tpu.dma_semaphore, #tpu.memory_space<semaphore_mem>>
    %dma_start3A_100 = tpu.memref_squeeze %dma_start3A_99 : memref<1x!tpu.dma_semaphore, #tpu.memory_space<semaphore_mem>> -> memref<!tpu.dma_semaphore, #tpu.memory_space<semaphore_mem>>
    %dma_start3A_101 = arith.constant 0 : i32
    %dma_start3A_102 = tpu.memref_slice %arg5[%dma_start3A_92, %dma_start3A_101] : memref<4x256xi32, #tpu.memory_space<vmem>> -> memref<1x256xi32, #tpu.memory_space<vmem>>
    %dma_start3A_103 = tpu.memref_squeeze %dma_start3A_102 : memref<1x256xi32, #tpu.memory_space<vmem>> -> memref<256xi32, #tpu.memory_space<vmem>>
    %dma_start3A_104 = tpu.memref_slice %arg2[%select_n3A_73, %mul3A_91] : memref<200x4096xi32, #tpu.memory_space<hbm>> -> memref<1x256xi32, #tpu.memory_space<hbm>>
    %dma_start3A_105 = tpu.memref_squeeze %dma_start3A_104 : memref<1x256xi32, #tpu.memory_space<hbm>> -> memref<256xi32, #tpu.memory_space<hbm>>
    tpu.enqueue_dma source(%dma_start3A_105 : memref<256xi32, #tpu.memory_space<hbm>>) target(%dma_start3A_103 : memref<256xi32, #tpu.memory_space<vmem>>) target_semaphore(%dma_start3A_100 : memref<!tpu.dma_semaphore, #tpu.memory_space<semaphore_mem>>)
    %dma_wait3A = arith.constant 0 : i32
    %dma_wait3A_106 = arith.constant 0 : i32
    %dma_wait3A_107 = arith.constant 0 : i32
    %dma_wait3A_108 = arith.constant 0 : i32
    %dma_wait3A_109 = tpu.memref_slice %arg5[%dma_wait3A_106, %dma_wait3A_108] : memref<4x256xi32, #tpu.memory_space<vmem>> -> memref<1x256xi32, #tpu.memory_space<vmem>>
    %dma_wait3A_110 = tpu.memref_squeeze %dma_wait3A_109 : memref<1x256xi32, #tpu.memory_space<vmem>> -> memref<256xi32, #tpu.memory_space<vmem>>
    %dma_wait3A_111 = arith.constant 0 : i32
    %dma_wait3A_112 = tpu.memref_slice %arg2[%dma_wait3A, %dma_wait3A_111] : memref<200x4096xi32, #tpu.memory_space<hbm>> -> memref<1x256xi32, #tpu.memory_space<hbm>>
    %dma_wait3A_113 = tpu.memref_squeeze %dma_wait3A_112 : memref<1x256xi32, #tpu.memory_space<hbm>> -> memref<256xi32, #tpu.memory_space<hbm>>
    %dma_wait3A_114 = tpu.memref_slice %arg7[%dma_wait3A_107] : memref<4x!tpu.dma_semaphore, #tpu.memory_space<semaphore_mem>> -> memref<1x!tpu.dma_semaphore, #tpu.memory_space<semaphore_mem>>
    %dma_wait3A_115 = tpu.memref_squeeze %dma_wait3A_114 : memref<1x!tpu.dma_semaphore, #tpu.memory_space<semaphore_mem>> -> memref<!tpu.dma_semaphore, #tpu.memory_space<semaphore_mem>>
    %dma_wait3A_116 = arith.constant 0 : i32
    %dma_wait3A_117 = tpu.memref_slice %arg5[%dma_wait3A_106, %dma_wait3A_116] : memref<4x256xi32, #tpu.memory_space<vmem>> -> memref<1x256xi32, #tpu.memory_space<vmem>>
    %dma_wait3A_118 = tpu.memref_squeeze %dma_wait3A_117 : memref<1x256xi32, #tpu.memory_space<vmem>> -> memref<256xi32, #tpu.memory_space<vmem>>
    %dma_wait3A_119 = arith.constant 0 : i32
    %dma_wait3A_120 = tpu.memref_slice %arg2[%dma_wait3A, %dma_wait3A_119] : memref<200x4096xi32, #tpu.memory_space<hbm>> -> memref<1x256xi32, #tpu.memory_space<hbm>>
    %dma_wait3A_121 = tpu.memref_squeeze %dma_wait3A_120 : memref<1x256xi32, #tpu.memory_space<hbm>> -> memref<256xi32, #tpu.memory_space<hbm>>
    tpu.wait_dma2 semaphore(%dma_wait3A_115 : memref<!tpu.dma_semaphore, #tpu.memory_space<semaphore_mem>>) src(%dma_wait3A_121 : memref<256xi32, #tpu.memory_space<hbm>>) dst(%dma_wait3A_118 : memref<256xi32, #tpu.memory_space<vmem>>)
    %dma_start3A_122 = arith.constant 0 : i32
    %dma_start3A_123 = arith.constant 0 : i32
    %dma_start3A_124 = arith.constant 0 : i32
    %dma_start3A_125 = arith.constant 0 : i32
    %dma_start3A_126 = arith.constant 0 : i32
    %dma_start3A_127 = tpu.memref_slice %arg6[%dma_start3A_123, %dma_start3A_125, %dma_start3A_126] : memref<2x256x128xf32, #tpu.memory_space<vmem>> -> memref<1x256x128xf32, #tpu.memory_space<vmem>>
    %dma_start3A_128 = tpu.memref_squeeze %dma_start3A_127 : memref<1x256x128xf32, #tpu.memory_space<vmem>> -> memref<256x128xf32, #tpu.memory_space<vmem>>
    %dma_start3A_129 = arith.constant 0 : i32
    %dma_start3A_130 = tpu.memref_slice %arg5[%dma_start3A_122, %dma_start3A_129] : memref<4x256xi32, #tpu.memory_space<vmem>> -> memref<1x256xi32, #tpu.memory_space<vmem>>
    %dma_start3A_131 = tpu.memref_squeeze %dma_start3A_130 : memref<1x256xi32, #tpu.memory_space<vmem>> -> memref<256xi32, #tpu.memory_space<vmem>>
    %dma_start3A_132 = arith.constant 0 : i32
    %dma_start3A_133 = arith.constant 0 : i32
    %dma_start3A_134 = tpu.memref_slice %arg3[%dma_start3A_132, %dma_start3A_133] : memref<1000000x128xf32, #tpu.memory_space<hbm>> -> memref<1000000x128xf32, #tpu.memory_space<hbm>>
    %dma_start3A_135 = tpu.memref_slice %arg8[%dma_start3A_124] : memref<2x!tpu.dma_semaphore, #tpu.memory_space<semaphore_mem>> -> memref<1x!tpu.dma_semaphore, #tpu.memory_space<semaphore_mem>>
    %dma_start3A_136 = tpu.memref_squeeze %dma_start3A_135 : memref<1x!tpu.dma_semaphore, #tpu.memory_space<semaphore_mem>> -> memref<!tpu.dma_semaphore, #tpu.memory_space<semaphore_mem>>
    tpu.enqueue_indirect_dma source(%dma_start3A_134 : memref<1000000x128xf32, #tpu.memory_space<hbm>>) target(%dma_start3A_128 : memref<256x128xf32, #tpu.memory_space<vmem>>) offsets(%dma_start3A_131 : memref<256xi32, #tpu.memory_space<vmem>>) semaphore(%dma_start3A_136 : memref<!tpu.dma_semaphore, #tpu.memory_space<semaphore_mem>>)
    %add3A_137 = arith.constant 64 : i32
    %add3A_138 = arith.addi %add3A, %add3A_137 : i32
    %jit3A_139 = arith.constant 16 : i32
    %div3A_140 = arith.divsi %add3A_138, %jit3A_139 : i32
    %sign3A_141 = arith.constant 0 : i32
    %sign3A_142 = arith.cmpi sgt, %add3A_138, %sign3A_141 : i32
    %sign3A_143 = arith.extui %sign3A_142 : i1 to i32
    %sign3A_144 = arith.constant 0 : i32
    %sign3A_145 = arith.cmpi slt, %add3A_138, %sign3A_144 : i32
    %sign3A_146 = arith.extui %sign3A_145 : i1 to i32
    %sign3A_147 = arith.subi %sign3A_143, %sign3A_146 : i32
    %sign3A_148 = arith.constant 0 : i32
    %sign3A_149 = arith.cmpi sgt, %jit3A_139, %sign3A_148 : i32
    %sign3A_150 = arith.extui %sign3A_149 : i1 to i32
    %sign3A_151 = arith.constant 0 : i32
    %sign3A_152 = arith.cmpi slt, %jit3A_139, %sign3A_151 : i32
    %sign3A_153 = arith.extui %sign3A_152 : i1 to i32
    %sign3A_154 = arith.subi %sign3A_150, %sign3A_153 : i32
    %ne3A_155 = arith.cmpi ne, %sign3A_147, %sign3A_154 : i32
    %rem3A_156 = arith.remsi %add3A_138, %jit3A_139 : i32
    %ne3A_157 = arith.constant 0 : i32
    %ne3A_158 = arith.cmpi ne, %rem3A_156, %ne3A_157 : i32
    %and3A_159 = arith.andi %ne3A_155, %ne3A_158 : i1
    %sub3A_160 = arith.constant 1 : i32
    %sub3A_161 = arith.subi %div3A_140, %sub3A_160 : i32
    %select_n3A_162 = arith.select %and3A_159, %sub3A_161, %div3A_140 : i32
    %jit3A_163 = arith.constant 16 : i32
    %eq3A_164 = arith.constant 0 : i32
    %eq3A_165 = arith.cmpi eq, %jit3A_163, %eq3A_164 : i32
    %jit3A_166 = arith.constant 1 : i32
    %select_n3A_167 = arith.select %eq3A_165, %jit3A_166, %jit3A_163 : i32
    %rem3A_168 = arith.remsi %add3A_138, %select_n3A_167 : i32
    %ne3A_169 = arith.constant 0 : i32
    %ne3A_170 = arith.cmpi ne, %rem3A_168, %ne3A_169 : i32
    %lt3A_171 = arith.constant 0 : i32
    %lt3A_172 = arith.cmpi slt, %rem3A_168, %lt3A_171 : i32
    %lt3A_173 = arith.constant 0 : i32
    %lt3A_174 = arith.cmpi slt, %select_n3A_167, %lt3A_173 : i32
    %ne3A_175 = arith.xori %lt3A_172, %lt3A_174 : i1
    %and3A_176 = arith.andi %ne3A_175, %ne3A_170 : i1
    %add3A_177 = arith.addi %rem3A_168, %select_n3A_167 : i32
    %select_n3A_178 = arith.select %and3A_176, %add3A_177, %rem3A_168 : i32
    %mul3A_179 = arith.constant 256 : i32
    %mul3A_180 = arith.muli %select_n3A_178, %mul3A_179 : i32
    %dma_start3A_181 = arith.constant 2 : i32
    %dma_start3A_182 = arith.constant 2 : i32
    %dma_start3A_183 = arith.constant 0 : i32
    %dma_start3A_184 = tpu.memref_slice %arg5[%dma_start3A_181, %dma_start3A_183] : memref<4x256xi32, #tpu.memory_space<vmem>> -> memref<1x256xi32, #tpu.memory_space<vmem>>
    %dma_start3A_185 = tpu.memref_squeeze %dma_start3A_184 : memref<1x256xi32, #tpu.memory_space<vmem>> -> memref<256xi32, #tpu.memory_space<vmem>>
    %dma_start3A_186 = tpu.memref_slice %arg2[%select_n3A_162, %mul3A_180] : memref<200x4096xi32, #tpu.memory_space<hbm>> -> memref<1x256xi32, #tpu.memory_space<hbm>>
    %dma_start3A_187 = tpu.memref_squeeze %dma_start3A_186 : memref<1x256xi32, #tpu.memory_space<hbm>> -> memref<256xi32, #tpu.memory_space<hbm>>
    %dma_start3A_188 = tpu.memref_slice %arg7[%dma_start3A_182] : memref<4x!tpu.dma_semaphore, #tpu.memory_space<semaphore_mem>> -> memref<1x!tpu.dma_semaphore, #tpu.memory_space<semaphore_mem>>
    %dma_start3A_189 = tpu.memref_squeeze %dma_start3A_188 : memref<1x!tpu.dma_semaphore, #tpu.memory_space<semaphore_mem>> -> memref<!tpu.dma_semaphore, #tpu.memory_space<semaphore_mem>>
    %dma_start3A_190 = arith.constant 0 : i32
    %dma_start3A_191 = tpu.memref_slice %arg5[%dma_start3A_181, %dma_start3A_190] : memref<4x256xi32, #tpu.memory_space<vmem>> -> memref<1x256xi32, #tpu.memory_space<vmem>>
    %dma_start3A_192 = tpu.memref_squeeze %dma_start3A_191 : memref<1x256xi32, #tpu.memory_space<vmem>> -> memref<256xi32, #tpu.memory_space<vmem>>
    %dma_start3A_193 = tpu.memref_slice %arg2[%select_n3A_162, %mul3A_180] : memref<200x4096xi32, #tpu.memory_space<hbm>> -> memref<1x256xi32, #tpu.memory_space<hbm>>
    %dma_start3A_194 = tpu.memref_squeeze %dma_start3A_193 : memref<1x256xi32, #tpu.memory_space<hbm>> -> memref<256xi32, #tpu.memory_space<hbm>>
    tpu.enqueue_dma source(%dma_start3A_194 : memref<256xi32, #tpu.memory_space<hbm>>) target(%dma_start3A_192 : memref<256xi32, #tpu.memory_space<vmem>>) target_semaphore(%dma_start3A_189 : memref<!tpu.dma_semaphore, #tpu.memory_space<semaphore_mem>>)
    %dma_wait3A_195 = arith.constant 0 : i32
    %dma_wait3A_196 = arith.constant 1 : i32
    %dma_wait3A_197 = arith.constant 1 : i32
    %dma_wait3A_198 = arith.constant 0 : i32
    %dma_wait3A_199 = tpu.memref_slice %arg5[%dma_wait3A_196, %dma_wait3A_198] : memref<4x256xi32, #tpu.memory_space<vmem>> -> memref<1x256xi32, #tpu.memory_space<vmem>>
    %dma_wait3A_200 = tpu.memref_squeeze %dma_wait3A_199 : memref<1x256xi32, #tpu.memory_space<vmem>> -> memref<256xi32, #tpu.memory_space<vmem>>
    %dma_wait3A_201 = arith.constant 0 : i32
    %dma_wait3A_202 = tpu.memref_slice %arg2[%dma_wait3A_195, %dma_wait3A_201] : memref<200x4096xi32, #tpu.memory_space<hbm>> -> memref<1x256xi32, #tpu.memory_space<hbm>>
    %dma_wait3A_203 = tpu.memref_squeeze %dma_wait3A_202 : memref<1x256xi32, #tpu.memory_space<hbm>> -> memref<256xi32, #tpu.memory_space<hbm>>
    %dma_wait3A_204 = tpu.memref_slice %arg7[%dma_wait3A_197] : memref<4x!tpu.dma_semaphore, #tpu.memory_space<semaphore_mem>> -> memref<1x!tpu.dma_semaphore, #tpu.memory_space<semaphore_mem>>
    %dma_wait3A_205 = tpu.memref_squeeze %dma_wait3A_204 : memref<1x!tpu.dma_semaphore, #tpu.memory_space<semaphore_mem>> -> memref<!tpu.dma_semaphore, #tpu.memory_space<semaphore_mem>>
    %dma_wait3A_206 = arith.constant 0 : i32
    %dma_wait3A_207 = tpu.memref_slice %arg5[%dma_wait3A_196, %dma_wait3A_206] : memref<4x256xi32, #tpu.memory_space<vmem>> -> memref<1x256xi32, #tpu.memory_space<vmem>>
    %dma_wait3A_208 = tpu.memref_squeeze %dma_wait3A_207 : memref<1x256xi32, #tpu.memory_space<vmem>> -> memref<256xi32, #tpu.memory_space<vmem>>
    %dma_wait3A_209 = arith.constant 0 : i32
    %dma_wait3A_210 = tpu.memref_slice %arg2[%dma_wait3A_195, %dma_wait3A_209] : memref<200x4096xi32, #tpu.memory_space<hbm>> -> memref<1x256xi32, #tpu.memory_space<hbm>>
    %dma_wait3A_211 = tpu.memref_squeeze %dma_wait3A_210 : memref<1x256xi32, #tpu.memory_space<hbm>> -> memref<256xi32, #tpu.memory_space<hbm>>
    tpu.wait_dma2 semaphore(%dma_wait3A_205 : memref<!tpu.dma_semaphore, #tpu.memory_space<semaphore_mem>>) src(%dma_wait3A_211 : memref<256xi32, #tpu.memory_space<hbm>>) dst(%dma_wait3A_208 : memref<256xi32, #tpu.memory_space<vmem>>)
    %dma_start3A_212 = arith.constant 1 : i32
    %dma_start3A_213 = arith.constant 1 : i32
    %dma_start3A_214 = arith.constant 1 : i32
    %dma_start3A_215 = arith.constant 0 : i32
    %dma_start3A_216 = arith.constant 0 : i32
    %dma_start3A_217 = tpu.memref_slice %arg6[%dma_start3A_213, %dma_start3A_215, %dma_start3A_216] : memref<2x256x128xf32, #tpu.memory_space<vmem>> -> memref<1x256x128xf32, #tpu.memory_space<vmem>>
    %dma_start3A_218 = tpu.memref_squeeze %dma_start3A_217 : memref<1x256x128xf32, #tpu.memory_space<vmem>> -> memref<256x128xf32, #tpu.memory_space<vmem>>
    %dma_start3A_219 = arith.constant 0 : i32
    %dma_start3A_220 = tpu.memref_slice %arg5[%dma_start3A_212, %dma_start3A_219] : memref<4x256xi32, #tpu.memory_space<vmem>> -> memref<1x256xi32, #tpu.memory_space<vmem>>
    %dma_start3A_221 = tpu.memref_squeeze %dma_start3A_220 : memref<1x256xi32, #tpu.memory_space<vmem>> -> memref<256xi32, #tpu.memory_space<vmem>>
    %dma_start3A_222 = arith.constant 0 : i32
    %dma_start3A_223 = arith.constant 0 : i32
    %dma_start3A_224 = tpu.memref_slice %arg3[%dma_start3A_222, %dma_start3A_223] : memref<1000000x128xf32, #tpu.memory_space<hbm>> -> memref<1000000x128xf32, #tpu.memory_space<hbm>>
    %dma_start3A_225 = tpu.memref_slice %arg8[%dma_start3A_214] : memref<2x!tpu.dma_semaphore, #tpu.memory_space<semaphore_mem>> -> memref<1x!tpu.dma_semaphore, #tpu.memory_space<semaphore_mem>>
    %dma_start3A_226 = tpu.memref_squeeze %dma_start3A_225 : memref<1x!tpu.dma_semaphore, #tpu.memory_space<semaphore_mem>> -> memref<!tpu.dma_semaphore, #tpu.memory_space<semaphore_mem>>
    tpu.enqueue_indirect_dma source(%dma_start3A_224 : memref<1000000x128xf32, #tpu.memory_space<hbm>>) target(%dma_start3A_218 : memref<256x128xf32, #tpu.memory_space<vmem>>) offsets(%dma_start3A_221 : memref<256xi32, #tpu.memory_space<vmem>>) semaphore(%dma_start3A_226 : memref<!tpu.dma_semaphore, #tpu.memory_space<semaphore_mem>>)
    %add3A_227 = arith.constant 96 : i32
    %add3A_228 = arith.addi %add3A, %add3A_227 : i32
    %jit3A_229 = arith.constant 16 : i32
    %div3A_230 = arith.divsi %add3A_228, %jit3A_229 : i32
    %sign3A_231 = arith.constant 0 : i32
    %sign3A_232 = arith.cmpi sgt, %add3A_228, %sign3A_231 : i32
    %sign3A_233 = arith.extui %sign3A_232 : i1 to i32
    %sign3A_234 = arith.constant 0 : i32
    %sign3A_235 = arith.cmpi slt, %add3A_228, %sign3A_234 : i32
    %sign3A_236 = arith.extui %sign3A_235 : i1 to i32
    %sign3A_237 = arith.subi %sign3A_233, %sign3A_236 : i32
    %sign3A_238 = arith.constant 0 : i32
    %sign3A_239 = arith.cmpi sgt, %jit3A_229, %sign3A_238 : i32
    %sign3A_240 = arith.extui %sign3A_239 : i1 to i32
    %sign3A_241 = arith.constant 0 : i32
    %sign3A_242 = arith.cmpi slt, %jit3A_229, %sign3A_241 : i32
    %sign3A_243 = arith.extui %sign3A_242 : i1 to i32
    %sign3A_244 = arith.subi %sign3A_240, %sign3A_243 : i32
    %ne3A_245 = arith.cmpi ne, %sign3A_237, %sign3A_244 : i32
    %rem3A_246 = arith.remsi %add3A_228, %jit3A_229 : i32
    %ne3A_247 = arith.constant 0 : i32
    %ne3A_248 = arith.cmpi ne, %rem3A_246, %ne3A_247 : i32
    %and3A_249 = arith.andi %ne3A_245, %ne3A_248 : i1
    %sub3A_250 = arith.constant 1 : i32
    %sub3A_251 = arith.subi %div3A_230, %sub3A_250 : i32
    %select_n3A_252 = arith.select %and3A_249, %sub3A_251, %div3A_230 : i32
    %jit3A_253 = arith.constant 16 : i32
    %eq3A_254 = arith.constant 0 : i32
    %eq3A_255 = arith.cmpi eq, %jit3A_253, %eq3A_254 : i32
    %jit3A_256 = arith.constant 1 : i32
    %select_n3A_257 = arith.select %eq3A_255, %jit3A_256, %jit3A_253 : i32
    %rem3A_258 = arith.remsi %add3A_228, %select_n3A_257 : i32
    %ne3A_259 = arith.constant 0 : i32
    %ne3A_260 = arith.cmpi ne, %rem3A_258, %ne3A_259 : i32
    %lt3A_261 = arith.constant 0 : i32
    %lt3A_262 = arith.cmpi slt, %rem3A_258, %lt3A_261 : i32
    %lt3A_263 = arith.constant 0 : i32
    %lt3A_264 = arith.cmpi slt, %select_n3A_257, %lt3A_263 : i32
    %ne3A_265 = arith.xori %lt3A_262, %lt3A_264 : i1
    %and3A_266 = arith.andi %ne3A_265, %ne3A_260 : i1
    %add3A_267 = arith.addi %rem3A_258, %select_n3A_257 : i32
    %select_n3A_268 = arith.select %and3A_266, %add3A_267, %rem3A_258 : i32
    %mul3A_269 = arith.constant 256 : i32
    %mul3A_270 = arith.muli %select_n3A_268, %mul3A_269 : i32
    %dma_start3A_271 = arith.constant 3 : i32
    %dma_start3A_272 = arith.constant 3 : i32
    %dma_start3A_273 = arith.constant 0 : i32
    %dma_start3A_274 = tpu.memref_slice %arg5[%dma_start3A_271, %dma_start3A_273] : memref<4x256xi32, #tpu.memory_space<vmem>> -> memref<1x256xi32, #tpu.memory_space<vmem>>
    %dma_start3A_275 = tpu.memref_squeeze %dma_start3A_274 : memref<1x256xi32, #tpu.memory_space<vmem>> -> memref<256xi32, #tpu.memory_space<vmem>>
    %dma_start3A_276 = tpu.memref_slice %arg2[%select_n3A_252, %mul3A_270] : memref<200x4096xi32, #tpu.memory_space<hbm>> -> memref<1x256xi32, #tpu.memory_space<hbm>>
    %dma_start3A_277 = tpu.memref_squeeze %dma_start3A_276 : memref<1x256xi32, #tpu.memory_space<hbm>> -> memref<256xi32, #tpu.memory_space<hbm>>
    %dma_start3A_278 = tpu.memref_slice %arg7[%dma_start3A_272] : memref<4x!tpu.dma_semaphore, #tpu.memory_space<semaphore_mem>> -> memref<1x!tpu.dma_semaphore, #tpu.memory_space<semaphore_mem>>
    %dma_start3A_279 = tpu.memref_squeeze %dma_start3A_278 : memref<1x!tpu.dma_semaphore, #tpu.memory_space<semaphore_mem>> -> memref<!tpu.dma_semaphore, #tpu.memory_space<semaphore_mem>>
    %dma_start3A_280 = arith.constant 0 : i32
    %dma_start3A_281 = tpu.memref_slice %arg5[%dma_start3A_271, %dma_start3A_280] : memref<4x256xi32, #tpu.memory_space<vmem>> -> memref<1x256xi32, #tpu.memory_space<vmem>>
    %dma_start3A_282 = tpu.memref_squeeze %dma_start3A_281 : memref<1x256xi32, #tpu.memory_space<vmem>> -> memref<256xi32, #tpu.memory_space<vmem>>
    %dma_start3A_283 = tpu.memref_slice %arg2[%select_n3A_252, %mul3A_270] : memref<200x4096xi32, #tpu.memory_space<hbm>> -> memref<1x256xi32, #tpu.memory_space<hbm>>
    %dma_start3A_284 = tpu.memref_squeeze %dma_start3A_283 : memref<1x256xi32, #tpu.memory_space<hbm>> -> memref<256xi32, #tpu.memory_space<hbm>>
    tpu.enqueue_dma source(%dma_start3A_284 : memref<256xi32, #tpu.memory_space<hbm>>) target(%dma_start3A_282 : memref<256xi32, #tpu.memory_space<vmem>>) target_semaphore(%dma_start3A_279 : memref<!tpu.dma_semaphore, #tpu.memory_space<semaphore_mem>>)
    %dma_wait3A_285 = arith.constant 0 : i32
    %dma_wait3A_286 = arith.constant 0 : i32
    %dma_wait3A_287 = arith.constant 0 : i32
    %dma_wait3A_288 = arith.constant 0 : i32
    %dma_wait3A_289 = arith.constant 0 : i32
    %dma_wait3A_290 = tpu.memref_slice %arg6[%dma_wait3A_286, %dma_wait3A_288, %dma_wait3A_289] : memref<2x256x128xf32, #tpu.memory_space<vmem>> -> memref<1x256x128xf32, #tpu.memory_space<vmem>>
    %dma_wait3A_291 = tpu.memref_squeeze %dma_wait3A_290 : memref<1x256x128xf32, #tpu.memory_space<vmem>> -> memref<256x128xf32, #tpu.memory_space<vmem>>
    %dma_wait3A_292 = arith.constant 0 : i32
    %dma_wait3A_293 = tpu.memref_slice %arg5[%dma_wait3A_285, %dma_wait3A_292] : memref<4x256xi32, #tpu.memory_space<vmem>> -> memref<1x256xi32, #tpu.memory_space<vmem>>
    %dma_wait3A_294 = tpu.memref_squeeze %dma_wait3A_293 : memref<1x256xi32, #tpu.memory_space<vmem>> -> memref<256xi32, #tpu.memory_space<vmem>>
    %dma_wait3A_295 = arith.constant 0 : i32
    %dma_wait3A_296 = arith.constant 0 : i32
    %dma_wait3A_297 = tpu.memref_slice %arg3[%dma_wait3A_295, %dma_wait3A_296] : memref<1000000x128xf32, #tpu.memory_space<hbm>> -> memref<1000000x128xf32, #tpu.memory_space<hbm>>
    %dma_wait3A_298 = tpu.memref_slice %arg8[%dma_wait3A_287] : memref<2x!tpu.dma_semaphore, #tpu.memory_space<semaphore_mem>> -> memref<1x!tpu.dma_semaphore, #tpu.memory_space<semaphore_mem>>
    %dma_wait3A_299 = tpu.memref_squeeze %dma_wait3A_298 : memref<1x!tpu.dma_semaphore, #tpu.memory_space<semaphore_mem>> -> memref<!tpu.dma_semaphore, #tpu.memory_space<semaphore_mem>>
    tpu.wait_indirect_dma semaphore(%dma_wait3A_299 : memref<!tpu.dma_semaphore, #tpu.memory_space<semaphore_mem>>) src(%dma_wait3A_297 : memref<1000000x128xf32, #tpu.memory_space<hbm>>) dst(%dma_wait3A_291 : memref<256x128xf32, #tpu.memory_space<vmem>>)
    %add3A_300 = arith.constant 0 : i32
    %add3A_301 = arith.addi %add3A, %add3A_300 : i32
    %mul3A_302 = arith.constant 256 : i32
    %mul3A_303 = arith.muli %add3A_301, %mul3A_302 : i32
    %dma_start3A_304 = arith.constant 0 : i32
    %dma_start3A_305 = arith.constant 0 : i32
    %dma_start3A_306 = arith.constant 0 : i32
    %dma_start3A_307 = arith.constant 0 : i32
    %dma_start3A_308 = tpu.memref_slice %arg6[%dma_start3A_304, %dma_start3A_306, %dma_start3A_307] : memref<2x256x128xf32, #tpu.memory_space<vmem>> -> memref<1x256x64xf32, #tpu.memory_space<vmem>>
    %dma_start3A_309 = tpu.memref_squeeze %dma_start3A_308 : memref<1x256x64xf32, #tpu.memory_space<vmem>> -> memref<256x64xf32, #tpu.memory_space<vmem>>
    %dma_start3A_310 = arith.constant 0 : i32
    %dma_start3A_311 = tpu.memref_slice %arg4[%mul3A_303, %dma_start3A_310] : memref<819200x128xf32, #tpu.memory_space<hbm>> -> memref<256x64xf32, #tpu.memory_space<hbm>>
    %dma_start3A_312 = tpu.memref_slice %arg9[%dma_start3A_305] : memref<2x!tpu.dma_semaphore, #tpu.memory_space<semaphore_mem>> -> memref<1x!tpu.dma_semaphore, #tpu.memory_space<semaphore_mem>>
    %dma_start3A_313 = tpu.memref_squeeze %dma_start3A_312 : memref<1x!tpu.dma_semaphore, #tpu.memory_space<semaphore_mem>> -> memref<!tpu.dma_semaphore, #tpu.memory_space<semaphore_mem>>
    %dma_start3A_314 = arith.constant 0 : i32
    %dma_start3A_315 = tpu.memref_slice %arg4[%mul3A_303, %dma_start3A_314] : memref<819200x128xf32, #tpu.memory_space<hbm>> -> memref<256x64xf32, #tpu.memory_space<hbm>>
    %dma_start3A_316 = arith.constant 0 : i32
    %dma_start3A_317 = arith.constant 0 : i32
    %dma_start3A_318 = tpu.memref_slice %arg6[%dma_start3A_304, %dma_start3A_316, %dma_start3A_317] : memref<2x256x128xf32, #tpu.memory_space<vmem>> -> memref<1x256x64xf32, #tpu.memory_space<vmem>>
    %dma_start3A_319 = tpu.memref_squeeze %dma_start3A_318 : memref<1x256x64xf32, #tpu.memory_space<vmem>> -> memref<256x64xf32, #tpu.memory_space<vmem>>
    tpu.enqueue_dma source(%dma_start3A_319 : memref<256x64xf32, #tpu.memory_space<vmem>>) target(%dma_start3A_315 : memref<256x64xf32, #tpu.memory_space<hbm>>) target_semaphore(%dma_start3A_313 : memref<!tpu.dma_semaphore, #tpu.memory_space<semaphore_mem>>)
    %scan3A = arith.constant 0 : i32
    %scan3A_320 = arith.constant 0 : i32
    %scan3A_321 = arith.constant 24 : i32
    %scan3A_322 = arith.addi %scan3A_320, %scan3A_321 : i32
    %scan3A_323 = arith.constant 1 : i32
    %scan3A_324 = scf.for %scan3A_567 = %scan3A_320 to %scan3A_322 step %scan3A_323 iter_args(%scan3A_568 = %scan3A) -> (i32)  : i32 {
      %mul3A_569 = arith.constant 4 : i32
      %mul3A_570 = arith.muli %scan3A_567, %mul3A_569 : i32
      %add3A_571 = arith.constant 2 : i32
      %add3A_572 = arith.addi %add3A_571, %mul3A_570 : i32
      %add3A_573 = arith.constant 0 : i32
      %add3A_574 = arith.addi %add3A_572, %add3A_573 : i32
      %dma_wait3A_575 = arith.constant 0 : i32
      %dma_wait3A_576 = arith.constant 2 : i32
      %dma_wait3A_577 = arith.constant 2 : i32
      %dma_wait3A_578 = arith.constant 0 : i32
      %dma_wait3A_579 = tpu.memref_slice %arg5[%dma_wait3A_576, %dma_wait3A_578] : memref<4x256xi32, #tpu.memory_space<vmem>> -> memref<1x256xi32, #tpu.memory_space<vmem>>
      %dma_wait3A_580 = tpu.memref_squeeze %dma_wait3A_579 : memref<1x256xi32, #tpu.memory_space<vmem>> -> memref<256xi32, #tpu.memory_space<vmem>>
      %dma_wait3A_581 = arith.constant 0 : i32
      %dma_wait3A_582 = tpu.memref_slice %arg2[%dma_wait3A_575, %dma_wait3A_581] : memref<200x4096xi32, #tpu.memory_space<hbm>> -> memref<1x256xi32, #tpu.memory_space<hbm>>
      %dma_wait3A_583 = tpu.memref_squeeze %dma_wait3A_582 : memref<1x256xi32, #tpu.memory_space<hbm>> -> memref<256xi32, #tpu.memory_space<hbm>>
      %dma_wait3A_584 = tpu.memref_slice %arg7[%dma_wait3A_577] : memref<4x!tpu.dma_semaphore, #tpu.memory_space<semaphore_mem>> -> memref<1x!tpu.dma_semaphore, #tpu.memory_space<semaphore_mem>>
      %dma_wait3A_585 = tpu.memref_squeeze %dma_wait3A_584 : memref<1x!tpu.dma_semaphore, #tpu.memory_space<semaphore_mem>> -> memref<!tpu.dma_semaphore, #tpu.memory_space<semaphore_mem>>
      %dma_wait3A_586 = arith.constant 0 : i32
      %dma_wait3A_587 = tpu.memref_slice %arg5[%dma_wait3A_576, %dma_wait3A_586] : memref<4x256xi32, #tpu.memory_space<vmem>> -> memref<1x256xi32, #tpu.memory_space<vmem>>
      %dma_wait3A_588 = tpu.memref_squeeze %dma_wait3A_587 : memref<1x256xi32, #tpu.memory_space<vmem>> -> memref<256xi32, #tpu.memory_space<vmem>>
      %dma_wait3A_589 = arith.constant 0 : i32
      %dma_wait3A_590 = tpu.memref_slice %arg2[%dma_wait3A_575, %dma_wait3A_589] : memref<200x4096xi32, #tpu.memory_space<hbm>> -> memref<1x256xi32, #tpu.memory_space<hbm>>
      %dma_wait3A_591 = tpu.memref_squeeze %dma_wait3A_590 : memref<1x256xi32, #tpu.memory_space<hbm>> -> memref<256xi32, #tpu.memory_space<hbm>>
      tpu.wait_dma2 semaphore(%dma_wait3A_585 : memref<!tpu.dma_semaphore, #tpu.memory_space<semaphore_mem>>) src(%dma_wait3A_591 : memref<256xi32, #tpu.memory_space<hbm>>) dst(%dma_wait3A_588 : memref<256xi32, #tpu.memory_space<vmem>>)
      %dma_wait3A_592 = arith.constant 0 : i32
      %dma_wait3A_593 = arith.constant 0 : i32
      %dma_wait3A_594 = arith.constant 0 : i32
      %dma_wait3A_595 = arith.constant 0 : i32
      %dma_wait3A_596 = tpu.memref_slice %arg6[%dma_wait3A_592, %dma_wait3A_594, %dma_wait3A_595] : memref<2x256x128xf32, #tpu.memory_space<vmem>> -> memref<1x256x64xf32, #tpu.memory_space<vmem>>
      %dma_wait3A_597 = tpu.memref_squeeze %dma_wait3A_596 : memref<1x256x64xf32, #tpu.memory_space<vmem>> -> memref<256x64xf32, #tpu.memory_space<vmem>>
      %dma_wait3A_598 = arith.constant 0 : i32
      %dma_wait3A_599 = arith.constant 0 : i32
      %dma_wait3A_600 = tpu.memref_slice %arg4[%dma_wait3A_598, %dma_wait3A_599] : memref<819200x128xf32, #tpu.memory_space<hbm>> -> memref<256x64xf32, #tpu.memory_space<hbm>>
      %dma_wait3A_601 = tpu.memref_slice %arg9[%dma_wait3A_593] : memref<2x!tpu.dma_semaphore, #tpu.memory_space<semaphore_mem>> -> memref<1x!tpu.dma_semaphore, #tpu.memory_space<semaphore_mem>>
      %dma_wait3A_602 = tpu.memref_squeeze %dma_wait3A_601 : memref<1x!tpu.dma_semaphore, #tpu.memory_space<semaphore_mem>> -> memref<!tpu.dma_semaphore, #tpu.memory_space<semaphore_mem>>
      %dma_wait3A_603 = arith.constant 0 : i32
      %dma_wait3A_604 = arith.constant 0 : i32
      %dma_wait3A_605 = tpu.memref_slice %arg4[%dma_wait3A_603, %dma_wait3A_604] : memref<819200x128xf32, #tpu.memory_space<hbm>> -> memref<256x64xf32, #tpu.memory_space<hbm>>
      %dma_wait3A_606 = arith.constant 0 : i32
      %dma_wait3A_607 = arith.constant 0 : i32
      %dma_wait3A_608 = tpu.memref_slice %arg6[%dma_wait3A_592, %dma_wait3A_606, %dma_wait3A_607] : memref<2x256x128xf32, #tpu.memory_space<vmem>> -> memref<1x256x64xf32, #tpu.memory_space<vmem>>
      %dma_wait3A_609 = tpu.memref_squeeze %dma_wait3A_608 : memref<1x256x64xf32, #tpu.memory_space<vmem>> -> memref<256x64xf32, #tpu.memory_space<vmem>>
      tpu.wait_dma2 semaphore(%dma_wait3A_602 : memref<!tpu.dma_semaphore, #tpu.memory_space<semaphore_mem>>) src(%dma_wait3A_609 : memref<256x64xf32, #tpu.memory_space<vmem>>) dst(%dma_wait3A_605 : memref<256x64xf32, #tpu.memory_space<hbm>>)
      %dma_start3A_610 = arith.constant 2 : i32
      %dma_start3A_611 = arith.constant 0 : i32
      %dma_start3A_612 = arith.constant 0 : i32
      %dma_start3A_613 = arith.constant 0 : i32
      %dma_start3A_614 = arith.constant 0 : i32
      %dma_start3A_615 = tpu.memref_slice %arg6[%dma_start3A_611, %dma_start3A_613, %dma_start3A_614] : memref<2x256x128xf32, #tpu.memory_space<vmem>> -> memref<1x256x128xf32, #tpu.memory_space<vmem>>
      %dma_start3A_616 = tpu.memref_squeeze %dma_start3A_615 : memref<1x256x128xf32, #tpu.memory_space<vmem>> -> memref<256x128xf32, #tpu.memory_space<vmem>>
      %dma_start3A_617 = arith.constant 0 : i32
      %dma_start3A_618 = tpu.memref_slice %arg5[%dma_start3A_610, %dma_start3A_617] : memref<4x256xi32, #tpu.memory_space<vmem>> -> memref<1x256xi32, #tpu.memory_space<vmem>>
      %dma_start3A_619 = tpu.memref_squeeze %dma_start3A_618 : memref<1x256xi32, #tpu.memory_space<vmem>> -> memref<256xi32, #tpu.memory_space<vmem>>
      %dma_start3A_620 = arith.constant 0 : i32
      %dma_start3A_621 = arith.constant 0 : i32
      %dma_start3A_622 = tpu.memref_slice %arg3[%dma_start3A_620, %dma_start3A_621] : memref<1000000x128xf32, #tpu.memory_space<hbm>> -> memref<1000000x128xf32, #tpu.memory_space<hbm>>
      %dma_start3A_623 = tpu.memref_slice %arg8[%dma_start3A_612] : memref<2x!tpu.dma_semaphore, #tpu.memory_space<semaphore_mem>> -> memref<1x!tpu.dma_semaphore, #tpu.memory_space<semaphore_mem>>
      %dma_start3A_624 = tpu.memref_squeeze %dma_start3A_623 : memref<1x!tpu.dma_semaphore, #tpu.memory_space<semaphore_mem>> -> memref<!tpu.dma_semaphore, #tpu.memory_space<semaphore_mem>>
      tpu.enqueue_indirect_dma source(%dma_start3A_622 : memref<1000000x128xf32, #tpu.memory_space<hbm>>) target(%dma_start3A_616 : memref<256x128xf32, #tpu.memory_space<vmem>>) offsets(%dma_start3A_619 : memref<256xi32, #tpu.memory_space<vmem>>) semaphore(%dma_start3A_624 : memref<!tpu.dma_semaphore, #tpu.memory_space<semaphore_mem>>)
      %add3A_625 = arith.constant 2 : i32
      %add3A_626 = arith.addi %add3A_574, %add3A_625 : i32
      %mul3A_627 = arith.constant 32 : i32
      %mul3A_628 = arith.muli %add3A_626, %mul3A_627 : i32
      %add3A_629 = arith.addi %add3A, %mul3A_628 : i32
      %jit3A_630 = arith.constant 16 : i32
      %div3A_631 = arith.divsi %add3A_629, %jit3A_630 : i32
      %sign3A_632 = arith.constant 0 : i32
      %sign3A_633 = arith.cmpi sgt, %add3A_629, %sign3A_632 : i32
      %sign3A_634 = arith.extui %sign3A_633 : i1 to i32
      %sign3A_635 = arith.constant 0 : i32
      %sign3A_636 = arith.cmpi slt, %add3A_629, %sign3A_635 : i32
      %sign3A_637 = arith.extui %sign3A_636 : i1 to i32
      %sign3A_638 = arith.subi %sign3A_634, %sign3A_637 : i32
      %sign3A_639 = arith.constant 0 : i32
      %sign3A_640 = arith.cmpi sgt, %jit3A_630, %sign3A_639 : i32
      %sign3A_641 = arith.extui %sign3A_640 : i1 to i32
      %sign3A_642 = arith.constant 0 : i32
      %sign3A_643 = arith.cmpi slt, %jit3A_630, %sign3A_642 : i32
      %sign3A_644 = arith.extui %sign3A_643 : i1 to i32
      %sign3A_645 = arith.subi %sign3A_641, %sign3A_644 : i32
      %ne3A_646 = arith.cmpi ne, %sign3A_638, %sign3A_645 : i32
      %rem3A_647 = arith.remsi %add3A_629, %jit3A_630 : i32
      %ne3A_648 = arith.constant 0 : i32
      %ne3A_649 = arith.cmpi ne, %rem3A_647, %ne3A_648 : i32
      %and3A_650 = arith.andi %ne3A_646, %ne3A_649 : i1
      %sub3A_651 = arith.constant 1 : i32
      %sub3A_652 = arith.subi %div3A_631, %sub3A_651 : i32
      %select_n3A_653 = arith.select %and3A_650, %sub3A_652, %div3A_631 : i32
      %jit3A_654 = arith.constant 16 : i32
      %eq3A_655 = arith.constant 0 : i32
      %eq3A_656 = arith.cmpi eq, %jit3A_654, %eq3A_655 : i32
      %jit3A_657 = arith.constant 1 : i32
      %select_n3A_658 = arith.select %eq3A_656, %jit3A_657, %jit3A_654 : i32
      %rem3A_659 = arith.remsi %add3A_629, %select_n3A_658 : i32
      %ne3A_660 = arith.constant 0 : i32
      %ne3A_661 = arith.cmpi ne, %rem3A_659, %ne3A_660 : i32
      %lt3A_662 = arith.constant 0 : i32
      %lt3A_663 = arith.cmpi slt, %rem3A_659, %lt3A_662 : i32
      %lt3A_664 = arith.constant 0 : i32
      %lt3A_665 = arith.cmpi slt, %select_n3A_658, %lt3A_664 : i32
      %ne3A_666 = arith.xori %lt3A_663, %lt3A_665 : i1
      %and3A_667 = arith.andi %ne3A_666, %ne3A_661 : i1
      %add3A_668 = arith.addi %rem3A_659, %select_n3A_658 : i32
      %select_n3A_669 = arith.select %and3A_667, %add3A_668, %rem3A_659 : i32
      %mul3A_670 = arith.constant 256 : i32
      %mul3A_671 = arith.muli %select_n3A_669, %mul3A_670 : i32
      %dma_start3A_672 = arith.constant 0 : i32
      %dma_start3A_673 = arith.constant 0 : i32
      %dma_start3A_674 = arith.constant 0 : i32
      %dma_start3A_675 = tpu.memref_slice %arg5[%dma_start3A_672, %dma_start3A_674] : memref<4x256xi32, #tpu.memory_space<vmem>> -> memref<1x256xi32, #tpu.memory_space<vmem>>
      %dma_start3A_676 = tpu.memref_squeeze %dma_start3A_675 : memref<1x256xi32, #tpu.memory_space<vmem>> -> memref<256xi32, #tpu.memory_space<vmem>>
      %dma_start3A_677 = tpu.memref_slice %arg2[%select_n3A_653, %mul3A_671] : memref<200x4096xi32, #tpu.memory_space<hbm>> -> memref<1x256xi32, #tpu.memory_space<hbm>>
      %dma_start3A_678 = tpu.memref_squeeze %dma_start3A_677 : memref<1x256xi32, #tpu.memory_space<hbm>> -> memref<256xi32, #tpu.memory_space<hbm>>
      %dma_start3A_679 = tpu.memref_slice %arg7[%dma_start3A_673] : memref<4x!tpu.dma_semaphore, #tpu.memory_space<semaphore_mem>> -> memref<1x!tpu.dma_semaphore, #tpu.memory_space<semaphore_mem>>
      %dma_start3A_680 = tpu.memref_squeeze %dma_start3A_679 : memref<1x!tpu.dma_semaphore, #tpu.memory_space<semaphore_mem>> -> memref<!tpu.dma_semaphore, #tpu.memory_space<semaphore_mem>>
      %dma_start3A_681 = arith.constant 0 : i32
      %dma_start3A_682 = tpu.memref_slice %arg5[%dma_start3A_672, %dma_start3A_681] : memref<4x256xi32, #tpu.memory_space<vmem>> -> memref<1x256xi32, #tpu.memory_space<vmem>>
      %dma_start3A_683 = tpu.memref_squeeze %dma_start3A_682 : memref<1x256xi32, #tpu.memory_space<vmem>> -> memref<256xi32, #tpu.memory_space<vmem>>
      %dma_start3A_684 = tpu.memref_slice %arg2[%select_n3A_653, %mul3A_671] : memref<200x4096xi32, #tpu.memory_space<hbm>> -> memref<1x256xi32, #tpu.memory_space<hbm>>
      %dma_start3A_685 = tpu.memref_squeeze %dma_start3A_684 : memref<1x256xi32, #tpu.memory_space<hbm>> -> memref<256xi32, #tpu.memory_space<hbm>>
      tpu.enqueue_dma source(%dma_start3A_685 : memref<256xi32, #tpu.memory_space<hbm>>) target(%dma_start3A_683 : memref<256xi32, #tpu.memory_space<vmem>>) target_semaphore(%dma_start3A_680 : memref<!tpu.dma_semaphore, #tpu.memory_space<semaphore_mem>>)
      %dma_wait3A_686 = arith.constant 0 : i32
      %dma_wait3A_687 = arith.constant 1 : i32
      %dma_wait3A_688 = arith.constant 1 : i32
      %dma_wait3A_689 = arith.constant 0 : i32
      %dma_wait3A_690 = arith.constant 0 : i32
      %dma_wait3A_691 = tpu.memref_slice %arg6[%dma_wait3A_687, %dma_wait3A_689, %dma_wait3A_690] : memref<2x256x128xf32, #tpu.memory_space<vmem>> -> memref<1x256x128xf32, #tpu.memory_space<vmem>>
      %dma_wait3A_692 = tpu.memref_squeeze %dma_wait3A_691 : memref<1x256x128xf32, #tpu.memory_space<vmem>> -> memref<256x128xf32, #tpu.memory_space<vmem>>
      %dma_wait3A_693 = arith.constant 0 : i32
      %dma_wait3A_694 = tpu.memref_slice %arg5[%dma_wait3A_686, %dma_wait3A_693] : memref<4x256xi32, #tpu.memory_space<vmem>> -> memref<1x256xi32, #tpu.memory_space<vmem>>
      %dma_wait3A_695 = tpu.memref_squeeze %dma_wait3A_694 : memref<1x256xi32, #tpu.memory_space<vmem>> -> memref<256xi32, #tpu.memory_space<vmem>>
      %dma_wait3A_696 = arith.constant 0 : i32
      %dma_wait3A_697 = arith.constant 0 : i32
      %dma_wait3A_698 = tpu.memref_slice %arg3[%dma_wait3A_696, %dma_wait3A_697] : memref<1000000x128xf32, #tpu.memory_space<hbm>> -> memref<1000000x128xf32, #tpu.memory_space<hbm>>
      %dma_wait3A_699 = tpu.memref_slice %arg8[%dma_wait3A_688] : memref<2x!tpu.dma_semaphore, #tpu.memory_space<semaphore_mem>> -> memref<1x!tpu.dma_semaphore, #tpu.memory_space<semaphore_mem>>
      %dma_wait3A_700 = tpu.memref_squeeze %dma_wait3A_699 : memref<1x!tpu.dma_semaphore, #tpu.memory_space<semaphore_mem>> -> memref<!tpu.dma_semaphore, #tpu.memory_space<semaphore_mem>>
      tpu.wait_indirect_dma semaphore(%dma_wait3A_700 : memref<!tpu.dma_semaphore, #tpu.memory_space<semaphore_mem>>) src(%dma_wait3A_698 : memref<1000000x128xf32, #tpu.memory_space<hbm>>) dst(%dma_wait3A_692 : memref<256x128xf32, #tpu.memory_space<vmem>>)
      %sub3A_701 = arith.constant 1 : i32
      %sub3A_702 = arith.subi %add3A_574, %sub3A_701 : i32
      %mul3A_703 = arith.constant 32 : i32
      %mul3A_704 = arith.muli %sub3A_702, %mul3A_703 : i32
      %add3A_705 = arith.addi %add3A, %mul3A_704 : i32
      %mul3A_706 = arith.constant 256 : i32
      %mul3A_707 = arith.muli %add3A_705, %mul3A_706 : i32
      %dma_start3A_708 = arith.constant 1 : i32
      %dma_start3A_709 = arith.constant 1 : i32
      %dma_start3A_710 = arith.constant 0 : i32
      %dma_start3A_711 = arith.constant 0 : i32
      %dma_start3A_712 = tpu.memref_slice %arg6[%dma_start3A_708, %dma_start3A_710, %dma_start3A_711] : memref<2x256x128xf32, #tpu.memory_space<vmem>> -> memref<1x256x64xf32, #tpu.memory_space<vmem>>
      %dma_start3A_713 = tpu.memref_squeeze %dma_start3A_712 : memref<1x256x64xf32, #tpu.memory_space<vmem>> -> memref<256x64xf32, #tpu.memory_space<vmem>>
      %dma_start3A_714 = arith.constant 0 : i32
      %dma_start3A_715 = tpu.memref_slice %arg4[%mul3A_707, %dma_start3A_714] : memref<819200x128xf32, #tpu.memory_space<hbm>> -> memref<256x64xf32, #tpu.memory_space<hbm>>
      %dma_start3A_716 = tpu.memref_slice %arg9[%dma_start3A_709] : memref<2x!tpu.dma_semaphore, #tpu.memory_space<semaphore_mem>> -> memref<1x!tpu.dma_semaphore, #tpu.memory_space<semaphore_mem>>
      %dma_start3A_717 = tpu.memref_squeeze %dma_start3A_716 : memref<1x!tpu.dma_semaphore, #tpu.memory_space<semaphore_mem>> -> memref<!tpu.dma_semaphore, #tpu.memory_space<semaphore_mem>>
      %dma_start3A_718 = arith.constant 0 : i32
      %dma_start3A_719 = tpu.memref_slice %arg4[%mul3A_707, %dma_start3A_718] : memref<819200x128xf32, #tpu.memory_space<hbm>> -> memref<256x64xf32, #tpu.memory_space<hbm>>
      %dma_start3A_720 = arith.constant 0 : i32
      %dma_start3A_721 = arith.constant 0 : i32
      %dma_start3A_722 = tpu.memref_slice %arg6[%dma_start3A_708, %dma_start3A_720, %dma_start3A_721] : memref<2x256x128xf32, #tpu.memory_space<vmem>> -> memref<1x256x64xf32, #tpu.memory_space<vmem>>
      %dma_start3A_723 = tpu.memref_squeeze %dma_start3A_722 : memref<1x256x64xf32, #tpu.memory_space<vmem>> -> memref<256x64xf32, #tpu.memory_space<vmem>>
      tpu.enqueue_dma source(%dma_start3A_723 : memref<256x64xf32, #tpu.memory_space<vmem>>) target(%dma_start3A_719 : memref<256x64xf32, #tpu.memory_space<hbm>>) target_semaphore(%dma_start3A_717 : memref<!tpu.dma_semaphore, #tpu.memory_space<semaphore_mem>>)
      %mul3A_724 = arith.constant 4 : i32
      %mul3A_725 = arith.muli %scan3A_567, %mul3A_724 : i32
      %add3A_726 = arith.constant 2 : i32
      %add3A_727 = arith.addi %add3A_726, %mul3A_725 : i32
      %add3A_728 = arith.constant 1 : i32
      %add3A_729 = arith.addi %add3A_727, %add3A_728 : i32
      %dma_wait3A_730 = arith.constant 0 : i32
      %dma_wait3A_731 = arith.constant 3 : i32
      %dma_wait3A_732 = arith.constant 3 : i32
      %dma_wait3A_733 = arith.constant 0 : i32
      %dma_wait3A_734 = tpu.memref_slice %arg5[%dma_wait3A_731, %dma_wait3A_733] : memref<4x256xi32, #tpu.memory_space<vmem>> -> memref<1x256xi32, #tpu.memory_space<vmem>>
      %dma_wait3A_735 = tpu.memref_squeeze %dma_wait3A_734 : memref<1x256xi32, #tpu.memory_space<vmem>> -> memref<256xi32, #tpu.memory_space<vmem>>
      %dma_wait3A_736 = arith.constant 0 : i32
      %dma_wait3A_737 = tpu.memref_slice %arg2[%dma_wait3A_730, %dma_wait3A_736] : memref<200x4096xi32, #tpu.memory_space<hbm>> -> memref<1x256xi32, #tpu.memory_space<hbm>>
      %dma_wait3A_738 = tpu.memref_squeeze %dma_wait3A_737 : memref<1x256xi32, #tpu.memory_space<hbm>> -> memref<256xi32, #tpu.memory_space<hbm>>
      %dma_wait3A_739 = tpu.memref_slice %arg7[%dma_wait3A_732] : memref<4x!tpu.dma_semaphore, #tpu.memory_space<semaphore_mem>> -> memref<1x!tpu.dma_semaphore, #tpu.memory_space<semaphore_mem>>
      %dma_wait3A_740 = tpu.memref_squeeze %dma_wait3A_739 : memref<1x!tpu.dma_semaphore, #tpu.memory_space<semaphore_mem>> -> memref<!tpu.dma_semaphore, #tpu.memory_space<semaphore_mem>>
      %dma_wait3A_741 = arith.constant 0 : i32
      %dma_wait3A_742 = tpu.memref_slice %arg5[%dma_wait3A_731, %dma_wait3A_741] : memref<4x256xi32, #tpu.memory_space<vmem>> -> memref<1x256xi32, #tpu.memory_space<vmem>>
      %dma_wait3A_743 = tpu.memref_squeeze %dma_wait3A_742 : memref<1x256xi32, #tpu.memory_space<vmem>> -> memref<256xi32, #tpu.memory_space<vmem>>
      %dma_wait3A_744 = arith.constant 0 : i32
      %dma_wait3A_745 = tpu.memref_slice %arg2[%dma_wait3A_730, %dma_wait3A_744] : memref<200x4096xi32, #tpu.memory_space<hbm>> -> memref<1x256xi32, #tpu.memory_space<hbm>>
      %dma_wait3A_746 = tpu.memref_squeeze %dma_wait3A_745 : memref<1x256xi32, #tpu.memory_space<hbm>> -> memref<256xi32, #tpu.memory_space<hbm>>
      tpu.wait_dma2 semaphore(%dma_wait3A_740 : memref<!tpu.dma_semaphore, #tpu.memory_space<semaphore_mem>>) src(%dma_wait3A_746 : memref<256xi32, #tpu.memory_space<hbm>>) dst(%dma_wait3A_743 : memref<256xi32, #tpu.memory_space<vmem>>)
      %dma_wait3A_747 = arith.constant 1 : i32
      %dma_wait3A_748 = arith.constant 1 : i32
      %dma_wait3A_749 = arith.constant 0 : i32
      %dma_wait3A_750 = arith.constant 0 : i32
      %dma_wait3A_751 = tpu.memref_slice %arg6[%dma_wait3A_747, %dma_wait3A_749, %dma_wait3A_750] : memref<2x256x128xf32, #tpu.memory_space<vmem>> -> memref<1x256x64xf32, #tpu.memory_space<vmem>>
      %dma_wait3A_752 = tpu.memref_squeeze %dma_wait3A_751 : memref<1x256x64xf32, #tpu.memory_space<vmem>> -> memref<256x64xf32, #tpu.memory_space<vmem>>
      %dma_wait3A_753 = arith.constant 0 : i32
      %dma_wait3A_754 = arith.constant 0 : i32
      %dma_wait3A_755 = tpu.memref_slice %arg4[%dma_wait3A_753, %dma_wait3A_754] : memref<819200x128xf32, #tpu.memory_space<hbm>> -> memref<256x64xf32, #tpu.memory_space<hbm>>
      %dma_wait3A_756 = tpu.memref_slice %arg9[%dma_wait3A_748] : memref<2x!tpu.dma_semaphore, #tpu.memory_space<semaphore_mem>> -> memref<1x!tpu.dma_semaphore, #tpu.memory_space<semaphore_mem>>
      %dma_wait3A_757 = tpu.memref_squeeze %dma_wait3A_756 : memref<1x!tpu.dma_semaphore, #tpu.memory_space<semaphore_mem>> -> memref<!tpu.dma_semaphore, #tpu.memory_space<semaphore_mem>>
      %dma_wait3A_758 = arith.constant 0 : i32
      %dma_wait3A_759 = arith.constant 0 : i32
      %dma_wait3A_760 = tpu.memref_slice %arg4[%dma_wait3A_758, %dma_wait3A_759] : memref<819200x128xf32, #tpu.memory_space<hbm>> -> memref<256x64xf32, #tpu.memory_space<hbm>>
      %dma_wait3A_761 = arith.constant 0 : i32
      %dma_wait3A_762 = arith.constant 0 : i32
      %dma_wait3A_763 = tpu.memref_slice %arg6[%dma_wait3A_747, %dma_wait3A_761, %dma_wait3A_762] : memref<2x256x128xf32, #tpu.memory_space<vmem>> -> memref<1x256x64xf32, #tpu.memory_space<vmem>>
      %dma_wait3A_764 = tpu.memref_squeeze %dma_wait3A_763 : memref<1x256x64xf32, #tpu.memory_space<vmem>> -> memref<256x64xf32, #tpu.memory_space<vmem>>
      tpu.wait_dma2 semaphore(%dma_wait3A_757 : memref<!tpu.dma_semaphore, #tpu.memory_space<semaphore_mem>>) src(%dma_wait3A_764 : memref<256x64xf32, #tpu.memory_space<vmem>>) dst(%dma_wait3A_760 : memref<256x64xf32, #tpu.memory_space<hbm>>)
      %dma_start3A_765 = arith.constant 3 : i32
      %dma_start3A_766 = arith.constant 1 : i32
      %dma_start3A_767 = arith.constant 1 : i32
      %dma_start3A_768 = arith.constant 0 : i32
      %dma_start3A_769 = arith.constant 0 : i32
      %dma_start3A_770 = tpu.memref_slice %arg6[%dma_start3A_766, %dma_start3A_768, %dma_start3A_769] : memref<2x256x128xf32, #tpu.memory_space<vmem>> -> memref<1x256x128xf32, #tpu.memory_space<vmem>>
      %dma_start3A_771 = tpu.memref_squeeze %dma_start3A_770 : memref<1x256x128xf32, #tpu.memory_space<vmem>> -> memref<256x128xf32, #tpu.memory_space<vmem>>
      %dma_start3A_772 = arith.constant 0 : i32
      %dma_start3A_773 = tpu.memref_slice %arg5[%dma_start3A_765, %dma_start3A_772] : memref<4x256xi32, #tpu.memory_space<vmem>> -> memref<1x256xi32, #tpu.memory_space<vmem>>
      %dma_start3A_774 = tpu.memref_squeeze %dma_start3A_773 : memref<1x256xi32, #tpu.memory_space<vmem>> -> memref<256xi32, #tpu.memory_space<vmem>>
      %dma_start3A_775 = arith.constant 0 : i32
      %dma_start3A_776 = arith.constant 0 : i32
      %dma_start3A_777 = tpu.memref_slice %arg3[%dma_start3A_775, %dma_start3A_776] : memref<1000000x128xf32, #tpu.memory_space<hbm>> -> memref<1000000x128xf32, #tpu.memory_space<hbm>>
      %dma_start3A_778 = tpu.memref_slice %arg8[%dma_start3A_767] : memref<2x!tpu.dma_semaphore, #tpu.memory_space<semaphore_mem>> -> memref<1x!tpu.dma_semaphore, #tpu.memory_space<semaphore_mem>>
      %dma_start3A_779 = tpu.memref_squeeze %dma_start3A_778 : memref<1x!tpu.dma_semaphore, #tpu.memory_space<semaphore_mem>> -> memref<!tpu.dma_semaphore, #tpu.memory_space<semaphore_mem>>
      tpu.enqueue_indirect_dma source(%dma_start3A_777 : memref<1000000x128xf32, #tpu.memory_space<hbm>>) target(%dma_start3A_771 : memref<256x128xf32, #tpu.memory_space<vmem>>) offsets(%dma_start3A_774 : memref<256xi32, #tpu.memory_space<vmem>>) semaphore(%dma_start3A_779 : memref<!tpu.dma_semaphore, #tpu.memory_space<semaphore_mem>>)
      %add3A_780 = arith.constant 2 : i32
      %add3A_781 = arith.addi %add3A_729, %add3A_780 : i32
      %mul3A_782 = arith.constant 32 : i32
      %mul3A_783 = arith.muli %add3A_781, %mul3A_782 : i32
      %add3A_784 = arith.addi %add3A, %mul3A_783 : i32
      %jit3A_785 = arith.constant 16 : i32
      %div3A_786 = arith.divsi %add3A_784, %jit3A_785 : i32
      %sign3A_787 = arith.constant 0 : i32
      %sign3A_788 = arith.cmpi sgt, %add3A_784, %sign3A_787 : i32
      %sign3A_789 = arith.extui %sign3A_788 : i1 to i32
      %sign3A_790 = arith.constant 0 : i32
      %sign3A_791 = arith.cmpi slt, %add3A_784, %sign3A_790 : i32
      %sign3A_792 = arith.extui %sign3A_791 : i1 to i32
      %sign3A_793 = arith.subi %sign3A_789, %sign3A_792 : i32
      %sign3A_794 = arith.constant 0 : i32
      %sign3A_795 = arith.cmpi sgt, %jit3A_785, %sign3A_794 : i32
      %sign3A_796 = arith.extui %sign3A_795 : i1 to i32
      %sign3A_797 = arith.constant 0 : i32
      %sign3A_798 = arith.cmpi slt, %jit3A_785, %sign3A_797 : i32
      %sign3A_799 = arith.extui %sign3A_798 : i1 to i32
      %sign3A_800 = arith.subi %sign3A_796, %sign3A_799 : i32
      %ne3A_801 = arith.cmpi ne, %sign3A_793, %sign3A_800 : i32
      %rem3A_802 = arith.remsi %add3A_784, %jit3A_785 : i32
      %ne3A_803 = arith.constant 0 : i32
      %ne3A_804 = arith.cmpi ne, %rem3A_802, %ne3A_803 : i32
      %and3A_805 = arith.andi %ne3A_801, %ne3A_804 : i1
      %sub3A_806 = arith.constant 1 : i32
      %sub3A_807 = arith.subi %div3A_786, %sub3A_806 : i32
      %select_n3A_808 = arith.select %and3A_805, %sub3A_807, %div3A_786 : i32
      %jit3A_809 = arith.constant 16 : i32
      %eq3A_810 = arith.constant 0 : i32
      %eq3A_811 = arith.cmpi eq, %jit3A_809, %eq3A_810 : i32
      %jit3A_812 = arith.constant 1 : i32
      %select_n3A_813 = arith.select %eq3A_811, %jit3A_812, %jit3A_809 : i32
      %rem3A_814 = arith.remsi %add3A_784, %select_n3A_813 : i32
      %ne3A_815 = arith.constant 0 : i32
      %ne3A_816 = arith.cmpi ne, %rem3A_814, %ne3A_815 : i32
      %lt3A_817 = arith.constant 0 : i32
      %lt3A_818 = arith.cmpi slt, %rem3A_814, %lt3A_817 : i32
      %lt3A_819 = arith.constant 0 : i32
      %lt3A_820 = arith.cmpi slt, %select_n3A_813, %lt3A_819 : i32
      %ne3A_821 = arith.xori %lt3A_818, %lt3A_820 : i1
      %and3A_822 = arith.andi %ne3A_821, %ne3A_816 : i1
      %add3A_823 = arith.addi %rem3A_814, %select_n3A_813 : i32
      %select_n3A_824 = arith.select %and3A_822, %add3A_823, %rem3A_814 : i32
      %mul3A_825 = arith.constant 256 : i32
      %mul3A_826 = arith.muli %select_n3A_824, %mul3A_825 : i32
      %dma_start3A_827 = arith.constant 1 : i32
      %dma_start3A_828 = arith.constant 1 : i32
      %dma_start3A_829 = arith.constant 0 : i32
      %dma_start3A_830 = tpu.memref_slice %arg5[%dma_start3A_827, %dma_start3A_829] : memref<4x256xi32, #tpu.memory_space<vmem>> -> memref<1x256xi32, #tpu.memory_space<vmem>>
      %dma_start3A_831 = tpu.memref_squeeze %dma_start3A_830 : memref<1x256xi32, #tpu.memory_space<vmem>> -> memref<256xi32, #tpu.memory_space<vmem>>
      %dma_start3A_832 = tpu.memref_slice %arg2[%select_n3A_808, %mul3A_826] : memref<200x4096xi32, #tpu.memory_space<hbm>> -> memref<1x256xi32, #tpu.memory_space<hbm>>
      %dma_start3A_833 = tpu.memref_squeeze %dma_start3A_832 : memref<1x256xi32, #tpu.memory_space<hbm>> -> memref<256xi32, #tpu.memory_space<hbm>>
      %dma_start3A_834 = tpu.memref_slice %arg7[%dma_start3A_828] : memref<4x!tpu.dma_semaphore, #tpu.memory_space<semaphore_mem>> -> memref<1x!tpu.dma_semaphore, #tpu.memory_space<semaphore_mem>>
      %dma_start3A_835 = tpu.memref_squeeze %dma_start3A_834 : memref<1x!tpu.dma_semaphore, #tpu.memory_space<semaphore_mem>> -> memref<!tpu.dma_semaphore, #tpu.memory_space<semaphore_mem>>
      %dma_start3A_836 = arith.constant 0 : i32
      %dma_start3A_837 = tpu.memref_slice %arg5[%dma_start3A_827, %dma_start3A_836] : memref<4x256xi32, #tpu.memory_space<vmem>> -> memref<1x256xi32, #tpu.memory_space<vmem>>
      %dma_start3A_838 = tpu.memref_squeeze %dma_start3A_837 : memref<1x256xi32, #tpu.memory_space<vmem>> -> memref<256xi32, #tpu.memory_space<vmem>>
      %dma_start3A_839 = tpu.memref_slice %arg2[%select_n3A_808, %mul3A_826] : memref<200x4096xi32, #tpu.memory_space<hbm>> -> memref<1x256xi32, #tpu.memory_space<hbm>>
      %dma_start3A_840 = tpu.memref_squeeze %dma_start3A_839 : memref<1x256xi32, #tpu.memory_space<hbm>> -> memref<256xi32, #tpu.memory_space<hbm>>
      tpu.enqueue_dma source(%dma_start3A_840 : memref<256xi32, #tpu.memory_space<hbm>>) target(%dma_start3A_838 : memref<256xi32, #tpu.memory_space<vmem>>) target_semaphore(%dma_start3A_835 : memref<!tpu.dma_semaphore, #tpu.memory_space<semaphore_mem>>)
      %dma_wait3A_841 = arith.constant 0 : i32
      %dma_wait3A_842 = arith.constant 0 : i32
      %dma_wait3A_843 = arith.constant 0 : i32
      %dma_wait3A_844 = arith.constant 0 : i32
      %dma_wait3A_845 = arith.constant 0 : i32
      %dma_wait3A_846 = tpu.memref_slice %arg6[%dma_wait3A_842, %dma_wait3A_844, %dma_wait3A_845] : memref<2x256x128xf32, #tpu.memory_space<vmem>> -> memref<1x256x128xf32, #tpu.memory_space<vmem>>
      %dma_wait3A_847 = tpu.memref_squeeze %dma_wait3A_846 : memref<1x256x128xf32, #tpu.memory_space<vmem>> -> memref<256x128xf32, #tpu.memory_space<vmem>>
      %dma_wait3A_848 = arith.constant 0 : i32
      %dma_wait3A_849 = tpu.memref_slice %arg5[%dma_wait3A_841, %dma_wait3A_848] : memref<4x256xi32, #tpu.memory_space<vmem>> -> memref<1x256xi32, #tpu.memory_space<vmem>>
      %dma_wait3A_850 = tpu.memref_squeeze %dma_wait3A_849 : memref<1x256xi32, #tpu.memory_space<vmem>> -> memref<256xi32, #tpu.memory_space<vmem>>
      %dma_wait3A_851 = arith.constant 0 : i32
      %dma_wait3A_852 = arith.constant 0 : i32
      %dma_wait3A_853 = tpu.memref_slice %arg3[%dma_wait3A_851, %dma_wait3A_852] : memref<1000000x128xf32, #tpu.memory_space<hbm>> -> memref<1000000x128xf32, #tpu.memory_space<hbm>>
      %dma_wait3A_854 = tpu.memref_slice %arg8[%dma_wait3A_843] : memref<2x!tpu.dma_semaphore, #tpu.memory_space<semaphore_mem>> -> memref<1x!tpu.dma_semaphore, #tpu.memory_space<semaphore_mem>>
      %dma_wait3A_855 = tpu.memref_squeeze %dma_wait3A_854 : memref<1x!tpu.dma_semaphore, #tpu.memory_space<semaphore_mem>> -> memref<!tpu.dma_semaphore, #tpu.memory_space<semaphore_mem>>
      tpu.wait_indirect_dma semaphore(%dma_wait3A_855 : memref<!tpu.dma_semaphore, #tpu.memory_space<semaphore_mem>>) src(%dma_wait3A_853 : memref<1000000x128xf32, #tpu.memory_space<hbm>>) dst(%dma_wait3A_847 : memref<256x128xf32, #tpu.memory_space<vmem>>)
      %sub3A_856 = arith.constant 1 : i32
      %sub3A_857 = arith.subi %add3A_729, %sub3A_856 : i32
      %mul3A_858 = arith.constant 32 : i32
      %mul3A_859 = arith.muli %sub3A_857, %mul3A_858 : i32
      %add3A_860 = arith.addi %add3A, %mul3A_859 : i32
      %mul3A_861 = arith.constant 256 : i32
      %mul3A_862 = arith.muli %add3A_860, %mul3A_861 : i32
      %dma_start3A_863 = arith.constant 0 : i32
      %dma_start3A_864 = arith.constant 0 : i32
      %dma_start3A_865 = arith.constant 0 : i32
      %dma_start3A_866 = arith.constant 0 : i32
      %dma_start3A_867 = tpu.memref_slice %arg6[%dma_start3A_863, %dma_start3A_865, %dma_start3A_866] : memref<2x256x128xf32, #tpu.memory_space<vmem>> -> memref<1x256x64xf32, #tpu.memory_space<vmem>>
      %dma_start3A_868 = tpu.memref_squeeze %dma_start3A_867 : memref<1x256x64xf32, #tpu.memory_space<vmem>> -> memref<256x64xf32, #tpu.memory_space<vmem>>
      %dma_start3A_869 = arith.constant 0 : i32
      %dma_start3A_870 = tpu.memref_slice %arg4[%mul3A_862, %dma_start3A_869] : memref<819200x128xf32, #tpu.memory_space<hbm>> -> memref<256x64xf32, #tpu.memory_space<hbm>>
      %dma_start3A_871 = tpu.memref_slice %arg9[%dma_start3A_864] : memref<2x!tpu.dma_semaphore, #tpu.memory_space<semaphore_mem>> -> memref<1x!tpu.dma_semaphore, #tpu.memory_space<semaphore_mem>>
      %dma_start3A_872 = tpu.memref_squeeze %dma_start3A_871 : memref<1x!tpu.dma_semaphore, #tpu.memory_space<semaphore_mem>> -> memref<!tpu.dma_semaphore, #tpu.memory_space<semaphore_mem>>
      %dma_start3A_873 = arith.constant 0 : i32
      %dma_start3A_874 = tpu.memref_slice %arg4[%mul3A_862, %dma_start3A_873] : memref<819200x128xf32, #tpu.memory_space<hbm>> -> memref<256x64xf32, #tpu.memory_space<hbm>>
      %dma_start3A_875 = arith.constant 0 : i32
      %dma_start3A_876 = arith.constant 0 : i32
      %dma_start3A_877 = tpu.memref_slice %arg6[%dma_start3A_863, %dma_start3A_875, %dma_start3A_876] : memref<2x256x128xf32, #tpu.memory_space<vmem>> -> memref<1x256x64xf32, #tpu.memory_space<vmem>>
      %dma_start3A_878 = tpu.memref_squeeze %dma_start3A_877 : memref<1x256x64xf32, #tpu.memory_space<vmem>> -> memref<256x64xf32, #tpu.memory_space<vmem>>
      tpu.enqueue_dma source(%dma_start3A_878 : memref<256x64xf32, #tpu.memory_space<vmem>>) target(%dma_start3A_874 : memref<256x64xf32, #tpu.memory_space<hbm>>) target_semaphore(%dma_start3A_872 : memref<!tpu.dma_semaphore, #tpu.memory_space<semaphore_mem>>)
      %mul3A_879 = arith.constant 4 : i32
      %mul3A_880 = arith.muli %scan3A_567, %mul3A_879 : i32
      %add3A_881 = arith.constant 2 : i32
      %add3A_882 = arith.addi %add3A_881, %mul3A_880 : i32
      %add3A_883 = arith.constant 2 : i32
      %add3A_884 = arith.addi %add3A_882, %add3A_883 : i32
      %dma_wait3A_885 = arith.constant 0 : i32
      %dma_wait3A_886 = arith.constant 0 : i32
      %dma_wait3A_887 = arith.constant 0 : i32
      %dma_wait3A_888 = arith.constant 0 : i32
      %dma_wait3A_889 = tpu.memref_slice %arg5[%dma_wait3A_886, %dma_wait3A_888] : memref<4x256xi32, #tpu.memory_space<vmem>> -> memref<1x256xi32, #tpu.memory_space<vmem>>
      %dma_wait3A_890 = tpu.memref_squeeze %dma_wait3A_889 : memref<1x256xi32, #tpu.memory_space<vmem>> -> memref<256xi32, #tpu.memory_space<vmem>>
      %dma_wait3A_891 = arith.constant 0 : i32
      %dma_wait3A_892 = tpu.memref_slice %arg2[%dma_wait3A_885, %dma_wait3A_891] : memref<200x4096xi32, #tpu.memory_space<hbm>> -> memref<1x256xi32, #tpu.memory_space<hbm>>
      %dma_wait3A_893 = tpu.memref_squeeze %dma_wait3A_892 : memref<1x256xi32, #tpu.memory_space<hbm>> -> memref<256xi32, #tpu.memory_space<hbm>>
      %dma_wait3A_894 = tpu.memref_slice %arg7[%dma_wait3A_887] : memref<4x!tpu.dma_semaphore, #tpu.memory_space<semaphore_mem>> -> memref<1x!tpu.dma_semaphore, #tpu.memory_space<semaphore_mem>>
      %dma_wait3A_895 = tpu.memref_squeeze %dma_wait3A_894 : memref<1x!tpu.dma_semaphore, #tpu.memory_space<semaphore_mem>> -> memref<!tpu.dma_semaphore, #tpu.memory_space<semaphore_mem>>
      %dma_wait3A_896 = arith.constant 0 : i32
      %dma_wait3A_897 = tpu.memref_slice %arg5[%dma_wait3A_886, %dma_wait3A_896] : memref<4x256xi32, #tpu.memory_space<vmem>> -> memref<1x256xi32, #tpu.memory_space<vmem>>
      %dma_wait3A_898 = tpu.memref_squeeze %dma_wait3A_897 : memref<1x256xi32, #tpu.memory_space<vmem>> -> memref<256xi32, #tpu.memory_space<vmem>>
      %dma_wait3A_899 = arith.constant 0 : i32
      %dma_wait3A_900 = tpu.memref_slice %arg2[%dma_wait3A_885, %dma_wait3A_899] : memref<200x4096xi32, #tpu.memory_space<hbm>> -> memref<1x256xi32, #tpu.memory_space<hbm>>
      %dma_wait3A_901 = tpu.memref_squeeze %dma_wait3A_900 : memref<1x256xi32, #tpu.memory_space<hbm>> -> memref<256xi32, #tpu.memory_space<hbm>>
      tpu.wait_dma2 semaphore(%dma_wait3A_895 : memref<!tpu.dma_semaphore, #tpu.memory_space<semaphore_mem>>) src(%dma_wait3A_901 : memref<256xi32, #tpu.memory_space<hbm>>) dst(%dma_wait3A_898 : memref<256xi32, #tpu.memory_space<vmem>>)
      %dma_wait3A_902 = arith.constant 0 : i32
      %dma_wait3A_903 = arith.constant 0 : i32
      %dma_wait3A_904 = arith.constant 0 : i32
      %dma_wait3A_905 = arith.constant 0 : i32
      %dma_wait3A_906 = tpu.memref_slice %arg6[%dma_wait3A_902, %dma_wait3A_904, %dma_wait3A_905] : memref<2x256x128xf32, #tpu.memory_space<vmem>> -> memref<1x256x64xf32, #tpu.memory_space<vmem>>
      %dma_wait3A_907 = tpu.memref_squeeze %dma_wait3A_906 : memref<1x256x64xf32, #tpu.memory_space<vmem>> -> memref<256x64xf32, #tpu.memory_space<vmem>>
      %dma_wait3A_908 = arith.constant 0 : i32
      %dma_wait3A_909 = arith.constant 0 : i32
      %dma_wait3A_910 = tpu.memref_slice %arg4[%dma_wait3A_908, %dma_wait3A_909] : memref<819200x128xf32, #tpu.memory_space<hbm>> -> memref<256x64xf32, #tpu.memory_space<hbm>>
      %dma_wait3A_911 = tpu.memref_slice %arg9[%dma_wait3A_903] : memref<2x!tpu.dma_semaphore, #tpu.memory_space<semaphore_mem>> -> memref<1x!tpu.dma_semaphore, #tpu.memory_space<semaphore_mem>>
      %dma_wait3A_912 = tpu.memref_squeeze %dma_wait3A_911 : memref<1x!tpu.dma_semaphore, #tpu.memory_space<semaphore_mem>> -> memref<!tpu.dma_semaphore, #tpu.memory_space<semaphore_mem>>
      %dma_wait3A_913 = arith.constant 0 : i32
      %dma_wait3A_914 = arith.constant 0 : i32
      %dma_wait3A_915 = tpu.memref_slice %arg4[%dma_wait3A_913, %dma_wait3A_914] : memref<819200x128xf32, #tpu.memory_space<hbm>> -> memref<256x64xf32, #tpu.memory_space<hbm>>
      %dma_wait3A_916 = arith.constant 0 : i32
      %dma_wait3A_917 = arith.constant 0 : i32
      %dma_wait3A_918 = tpu.memref_slice %arg6[%dma_wait3A_902, %dma_wait3A_916, %dma_wait3A_917] : memref<2x256x128xf32, #tpu.memory_space<vmem>> -> memref<1x256x64xf32, #tpu.memory_space<vmem>>
      %dma_wait3A_919 = tpu.memref_squeeze %dma_wait3A_918 : memref<1x256x64xf32, #tpu.memory_space<vmem>> -> memref<256x64xf32, #tpu.memory_space<vmem>>
      tpu.wait_dma2 semaphore(%dma_wait3A_912 : memref<!tpu.dma_semaphore, #tpu.memory_space<semaphore_mem>>) src(%dma_wait3A_919 : memref<256x64xf32, #tpu.memory_space<vmem>>) dst(%dma_wait3A_915 : memref<256x64xf32, #tpu.memory_space<hbm>>)
      %dma_start3A_920 = arith.constant 0 : i32
      %dma_start3A_921 = arith.constant 0 : i32
      %dma_start3A_922 = arith.constant 0 : i32
      %dma_start3A_923 = arith.constant 0 : i32
      %dma_start3A_924 = arith.constant 0 : i32
      %dma_start3A_925 = tpu.memref_slice %arg6[%dma_start3A_921, %dma_start3A_923, %dma_start3A_924] : memref<2x256x128xf32, #tpu.memory_space<vmem>> -> memref<1x256x128xf32, #tpu.memory_space<vmem>>
      %dma_start3A_926 = tpu.memref_squeeze %dma_start3A_925 : memref<1x256x128xf32, #tpu.memory_space<vmem>> -> memref<256x128xf32, #tpu.memory_space<vmem>>
      %dma_start3A_927 = arith.constant 0 : i32
      %dma_start3A_928 = tpu.memref_slice %arg5[%dma_start3A_920, %dma_start3A_927] : memref<4x256xi32, #tpu.memory_space<vmem>> -> memref<1x256xi32, #tpu.memory_space<vmem>>
      %dma_start3A_929 = tpu.memref_squeeze %dma_start3A_928 : memref<1x256xi32, #tpu.memory_space<vmem>> -> memref<256xi32, #tpu.memory_space<vmem>>
      %dma_start3A_930 = arith.constant 0 : i32
      %dma_start3A_931 = arith.constant 0 : i32
      %dma_start3A_932 = tpu.memref_slice %arg3[%dma_start3A_930, %dma_start3A_931] : memref<1000000x128xf32, #tpu.memory_space<hbm>> -> memref<1000000x128xf32, #tpu.memory_space<hbm>>
      %dma_start3A_933 = tpu.memref_slice %arg8[%dma_start3A_922] : memref<2x!tpu.dma_semaphore, #tpu.memory_space<semaphore_mem>> -> memref<1x!tpu.dma_semaphore, #tpu.memory_space<semaphore_mem>>
      %dma_start3A_934 = tpu.memref_squeeze %dma_start3A_933 : memref<1x!tpu.dma_semaphore, #tpu.memory_space<semaphore_mem>> -> memref<!tpu.dma_semaphore, #tpu.memory_space<semaphore_mem>>
      tpu.enqueue_indirect_dma source(%dma_start3A_932 : memref<1000000x128xf32, #tpu.memory_space<hbm>>) target(%dma_start3A_926 : memref<256x128xf32, #tpu.memory_space<vmem>>) offsets(%dma_start3A_929 : memref<256xi32, #tpu.memory_space<vmem>>) semaphore(%dma_start3A_934 : memref<!tpu.dma_semaphore, #tpu.memory_space<semaphore_mem>>)
      %add3A_935 = arith.constant 2 : i32
      %add3A_936 = arith.addi %add3A_884, %add3A_935 : i32
      %mul3A_937 = arith.constant 32 : i32
      %mul3A_938 = arith.muli %add3A_936, %mul3A_937 : i32
      %add3A_939 = arith.addi %add3A, %mul3A_938 : i32
      %jit3A_940 = arith.constant 16 : i32
      %div3A_941 = arith.divsi %add3A_939, %jit3A_940 : i32
      %sign3A_942 = arith.constant 0 : i32
      %sign3A_943 = arith.cmpi sgt, %add3A_939, %sign3A_942 : i32
      %sign3A_944 = arith.extui %sign3A_943 : i1 to i32
      %sign3A_945 = arith.constant 0 : i32
      %sign3A_946 = arith.cmpi slt, %add3A_939, %sign3A_945 : i32
      %sign3A_947 = arith.extui %sign3A_946 : i1 to i32
      %sign3A_948 = arith.subi %sign3A_944, %sign3A_947 : i32
      %sign3A_949 = arith.constant 0 : i32
      %sign3A_950 = arith.cmpi sgt, %jit3A_940, %sign3A_949 : i32
      %sign3A_951 = arith.extui %sign3A_950 : i1 to i32
      %sign3A_952 = arith.constant 0 : i32
      %sign3A_953 = arith.cmpi slt, %jit3A_940, %sign3A_952 : i32
      %sign3A_954 = arith.extui %sign3A_953 : i1 to i32
      %sign3A_955 = arith.subi %sign3A_951, %sign3A_954 : i32
      %ne3A_956 = arith.cmpi ne, %sign3A_948, %sign3A_955 : i32
      %rem3A_957 = arith.remsi %add3A_939, %jit3A_940 : i32
      %ne3A_958 = arith.constant 0 : i32
      %ne3A_959 = arith.cmpi ne, %rem3A_957, %ne3A_958 : i32
      %and3A_960 = arith.andi %ne3A_956, %ne3A_959 : i1
      %sub3A_961 = arith.constant 1 : i32
      %sub3A_962 = arith.subi %div3A_941, %sub3A_961 : i32
      %select_n3A_963 = arith.select %and3A_960, %sub3A_962, %div3A_941 : i32
      %jit3A_964 = arith.constant 16 : i32
      %eq3A_965 = arith.constant 0 : i32
      %eq3A_966 = arith.cmpi eq, %jit3A_964, %eq3A_965 : i32
      %jit3A_967 = arith.constant 1 : i32
      %select_n3A_968 = arith.select %eq3A_966, %jit3A_967, %jit3A_964 : i32
      %rem3A_969 = arith.remsi %add3A_939, %select_n3A_968 : i32
      %ne3A_970 = arith.constant 0 : i32
      %ne3A_971 = arith.cmpi ne, %rem3A_969, %ne3A_970 : i32
      %lt3A_972 = arith.constant 0 : i32
      %lt3A_973 = arith.cmpi slt, %rem3A_969, %lt3A_972 : i32
      %lt3A_974 = arith.constant 0 : i32
      %lt3A_975 = arith.cmpi slt, %select_n3A_968, %lt3A_974 : i32
      %ne3A_976 = arith.xori %lt3A_973, %lt3A_975 : i1
      %and3A_977 = arith.andi %ne3A_976, %ne3A_971 : i1
      %add3A_978 = arith.addi %rem3A_969, %select_n3A_968 : i32
      %select_n3A_979 = arith.select %and3A_977, %add3A_978, %rem3A_969 : i32
      %mul3A_980 = arith.constant 256 : i32
      %mul3A_981 = arith.muli %select_n3A_979, %mul3A_980 : i32
      %dma_start3A_982 = arith.constant 2 : i32
      %dma_start3A_983 = arith.constant 2 : i32
      %dma_start3A_984 = arith.constant 0 : i32
      %dma_start3A_985 = tpu.memref_slice %arg5[%dma_start3A_982, %dma_start3A_984] : memref<4x256xi32, #tpu.memory_space<vmem>> -> memref<1x256xi32, #tpu.memory_space<vmem>>
      %dma_start3A_986 = tpu.memref_squeeze %dma_start3A_985 : memref<1x256xi32, #tpu.memory_space<vmem>> -> memref<256xi32, #tpu.memory_space<vmem>>
      %dma_start3A_987 = tpu.memref_slice %arg2[%select_n3A_963, %mul3A_981] : memref<200x4096xi32, #tpu.memory_space<hbm>> -> memref<1x256xi32, #tpu.memory_space<hbm>>
      %dma_start3A_988 = tpu.memref_squeeze %dma_start3A_987 : memref<1x256xi32, #tpu.memory_space<hbm>> -> memref<256xi32, #tpu.memory_space<hbm>>
      %dma_start3A_989 = tpu.memref_slice %arg7[%dma_start3A_983] : memref<4x!tpu.dma_semaphore, #tpu.memory_space<semaphore_mem>> -> memref<1x!tpu.dma_semaphore, #tpu.memory_space<semaphore_mem>>
      %dma_start3A_990 = tpu.memref_squeeze %dma_start3A_989 : memref<1x!tpu.dma_semaphore, #tpu.memory_space<semaphore_mem>> -> memref<!tpu.dma_semaphore, #tpu.memory_space<semaphore_mem>>
      %dma_start3A_991 = arith.constant 0 : i32
      %dma_start3A_992 = tpu.memref_slice %arg5[%dma_start3A_982, %dma_start3A_991] : memref<4x256xi32, #tpu.memory_space<vmem>> -> memref<1x256xi32, #tpu.memory_space<vmem>>
      %dma_start3A_993 = tpu.memref_squeeze %dma_start3A_992 : memref<1x256xi32, #tpu.memory_space<vmem>> -> memref<256xi32, #tpu.memory_space<vmem>>
      %dma_start3A_994 = tpu.memref_slice %arg2[%select_n3A_963, %mul3A_981] : memref<200x4096xi32, #tpu.memory_space<hbm>> -> memref<1x256xi32, #tpu.memory_space<hbm>>
      %dma_start3A_995 = tpu.memref_squeeze %dma_start3A_994 : memref<1x256xi32, #tpu.memory_space<hbm>> -> memref<256xi32, #tpu.memory_space<hbm>>
      tpu.enqueue_dma source(%dma_start3A_995 : memref<256xi32, #tpu.memory_space<hbm>>) target(%dma_start3A_993 : memref<256xi32, #tpu.memory_space<vmem>>) target_semaphore(%dma_start3A_990 : memref<!tpu.dma_semaphore, #tpu.memory_space<semaphore_mem>>)
      %dma_wait3A_996 = arith.constant 0 : i32
      %dma_wait3A_997 = arith.constant 1 : i32
      %dma_wait3A_998 = arith.constant 1 : i32
      %dma_wait3A_999 = arith.constant 0 : i32
      %dma_wait3A_1000 = arith.constant 0 : i32
      %dma_wait3A_1001 = tpu.memref_slice %arg6[%dma_wait3A_997, %dma_wait3A_999, %dma_wait3A_1000] : memref<2x256x128xf32, #tpu.memory_space<vmem>> -> memref<1x256x128xf32, #tpu.memory_space<vmem>>
      %dma_wait3A_1002 = tpu.memref_squeeze %dma_wait3A_1001 : memref<1x256x128xf32, #tpu.memory_space<vmem>> -> memref<256x128xf32, #tpu.memory_space<vmem>>
      %dma_wait3A_1003 = arith.constant 0 : i32
      %dma_wait3A_1004 = tpu.memref_slice %arg5[%dma_wait3A_996, %dma_wait3A_1003] : memref<4x256xi32, #tpu.memory_space<vmem>> -> memref<1x256xi32, #tpu.memory_space<vmem>>
      %dma_wait3A_1005 = tpu.memref_squeeze %dma_wait3A_1004 : memref<1x256xi32, #tpu.memory_space<vmem>> -> memref<256xi32, #tpu.memory_space<vmem>>
      %dma_wait3A_1006 = arith.constant 0 : i32
      %dma_wait3A_1007 = arith.constant 0 : i32
      %dma_wait3A_1008 = tpu.memref_slice %arg3[%dma_wait3A_1006, %dma_wait3A_1007] : memref<1000000x128xf32, #tpu.memory_space<hbm>> -> memref<1000000x128xf32, #tpu.memory_space<hbm>>
      %dma_wait3A_1009 = tpu.memref_slice %arg8[%dma_wait3A_998] : memref<2x!tpu.dma_semaphore, #tpu.memory_space<semaphore_mem>> -> memref<1x!tpu.dma_semaphore, #tpu.memory_space<semaphore_mem>>
      %dma_wait3A_1010 = tpu.memref_squeeze %dma_wait3A_1009 : memref<1x!tpu.dma_semaphore, #tpu.memory_space<semaphore_mem>> -> memref<!tpu.dma_semaphore, #tpu.memory_space<semaphore_mem>>
      tpu.wait_indirect_dma semaphore(%dma_wait3A_1010 : memref<!tpu.dma_semaphore, #tpu.memory_space<semaphore_mem>>) src(%dma_wait3A_1008 : memref<1000000x128xf32, #tpu.memory_space<hbm>>) dst(%dma_wait3A_1002 : memref<256x128xf32, #tpu.memory_space<vmem>>)
      %sub3A_1011 = arith.constant 1 : i32
      %sub3A_1012 = arith.subi %add3A_884, %sub3A_1011 : i32
      %mul3A_1013 = arith.constant 32 : i32
      %mul3A_1014 = arith.muli %sub3A_1012, %mul3A_1013 : i32
      %add3A_1015 = arith.addi %add3A, %mul3A_1014 : i32
      %mul3A_1016 = arith.constant 256 : i32
      %mul3A_1017 = arith.muli %add3A_1015, %mul3A_1016 : i32
      %dma_start3A_1018 = arith.constant 1 : i32
      %dma_start3A_1019 = arith.constant 1 : i32
      %dma_start3A_1020 = arith.constant 0 : i32
      %dma_start3A_1021 = arith.constant 0 : i32
      %dma_start3A_1022 = tpu.memref_slice %arg6[%dma_start3A_1018, %dma_start3A_1020, %dma_start3A_1021] : memref<2x256x128xf32, #tpu.memory_space<vmem>> -> memref<1x256x64xf32, #tpu.memory_space<vmem>>
      %dma_start3A_1023 = tpu.memref_squeeze %dma_start3A_1022 : memref<1x256x64xf32, #tpu.memory_space<vmem>> -> memref<256x64xf32, #tpu.memory_space<vmem>>
      %dma_start3A_1024 = arith.constant 0 : i32
      %dma_start3A_1025 = tpu.memref_slice %arg4[%mul3A_1017, %dma_start3A_1024] : memref<819200x128xf32, #tpu.memory_space<hbm>> -> memref<256x64xf32, #tpu.memory_space<hbm>>
      %dma_start3A_1026 = tpu.memref_slice %arg9[%dma_start3A_1019] : memref<2x!tpu.dma_semaphore, #tpu.memory_space<semaphore_mem>> -> memref<1x!tpu.dma_semaphore, #tpu.memory_space<semaphore_mem>>
      %dma_start3A_1027 = tpu.memref_squeeze %dma_start3A_1026 : memref<1x!tpu.dma_semaphore, #tpu.memory_space<semaphore_mem>> -> memref<!tpu.dma_semaphore, #tpu.memory_space<semaphore_mem>>
      %dma_start3A_1028 = arith.constant 0 : i32
      %dma_start3A_1029 = tpu.memref_slice %arg4[%mul3A_1017, %dma_start3A_1028] : memref<819200x128xf32, #tpu.memory_space<hbm>> -> memref<256x64xf32, #tpu.memory_space<hbm>>
      %dma_start3A_1030 = arith.constant 0 : i32
      %dma_start3A_1031 = arith.constant 0 : i32
      %dma_start3A_1032 = tpu.memref_slice %arg6[%dma_start3A_1018, %dma_start3A_1030, %dma_start3A_1031] : memref<2x256x128xf32, #tpu.memory_space<vmem>> -> memref<1x256x64xf32, #tpu.memory_space<vmem>>
      %dma_start3A_1033 = tpu.memref_squeeze %dma_start3A_1032 : memref<1x256x64xf32, #tpu.memory_space<vmem>> -> memref<256x64xf32, #tpu.memory_space<vmem>>
      tpu.enqueue_dma source(%dma_start3A_1033 : memref<256x64xf32, #tpu.memory_space<vmem>>) target(%dma_start3A_1029 : memref<256x64xf32, #tpu.memory_space<hbm>>) target_semaphore(%dma_start3A_1027 : memref<!tpu.dma_semaphore, #tpu.memory_space<semaphore_mem>>)
      %mul3A_1034 = arith.constant 4 : i32
      %mul3A_1035 = arith.muli %scan3A_567, %mul3A_1034 : i32
      %add3A_1036 = arith.constant 2 : i32
      %add3A_1037 = arith.addi %add3A_1036, %mul3A_1035 : i32
      %add3A_1038 = arith.constant 3 : i32
      %add3A_1039 = arith.addi %add3A_1037, %add3A_1038 : i32
      %dma_wait3A_1040 = arith.constant 0 : i32
      %dma_wait3A_1041 = arith.constant 1 : i32
      %dma_wait3A_1042 = arith.constant 1 : i32
      %dma_wait3A_1043 = arith.constant 0 : i32
      %dma_wait3A_1044 = tpu.memref_slice %arg5[%dma_wait3A_1041, %dma_wait3A_1043] : memref<4x256xi32, #tpu.memory_space<vmem>> -> memref<1x256xi32, #tpu.memory_space<vmem>>
      %dma_wait3A_1045 = tpu.memref_squeeze %dma_wait3A_1044 : memref<1x256xi32, #tpu.memory_space<vmem>> -> memref<256xi32, #tpu.memory_space<vmem>>
      %dma_wait3A_1046 = arith.constant 0 : i32
      %dma_wait3A_1047 = tpu.memref_slice %arg2[%dma_wait3A_1040, %dma_wait3A_1046] : memref<200x4096xi32, #tpu.memory_space<hbm>> -> memref<1x256xi32, #tpu.memory_space<hbm>>
      %dma_wait3A_1048 = tpu.memref_squeeze %dma_wait3A_1047 : memref<1x256xi32, #tpu.memory_space<hbm>> -> memref<256xi32, #tpu.memory_space<hbm>>
      %dma_wait3A_1049 = tpu.memref_slice %arg7[%dma_wait3A_1042] : memref<4x!tpu.dma_semaphore, #tpu.memory_space<semaphore_mem>> -> memref<1x!tpu.dma_semaphore, #tpu.memory_space<semaphore_mem>>
      %dma_wait3A_1050 = tpu.memref_squeeze %dma_wait3A_1049 : memref<1x!tpu.dma_semaphore, #tpu.memory_space<semaphore_mem>> -> memref<!tpu.dma_semaphore, #tpu.memory_space<semaphore_mem>>
      %dma_wait3A_1051 = arith.constant 0 : i32
      %dma_wait3A_1052 = tpu.memref_slice %arg5[%dma_wait3A_1041, %dma_wait3A_1051] : memref<4x256xi32, #tpu.memory_space<vmem>> -> memref<1x256xi32, #tpu.memory_space<vmem>>
      %dma_wait3A_1053 = tpu.memref_squeeze %dma_wait3A_1052 : memref<1x256xi32, #tpu.memory_space<vmem>> -> memref<256xi32, #tpu.memory_space<vmem>>
      %dma_wait3A_1054 = arith.constant 0 : i32
      %dma_wait3A_1055 = tpu.memref_slice %arg2[%dma_wait3A_1040, %dma_wait3A_1054] : memref<200x4096xi32, #tpu.memory_space<hbm>> -> memref<1x256xi32, #tpu.memory_space<hbm>>
      %dma_wait3A_1056 = tpu.memref_squeeze %dma_wait3A_1055 : memref<1x256xi32, #tpu.memory_space<hbm>> -> memref<256xi32, #tpu.memory_space<hbm>>
      tpu.wait_dma2 semaphore(%dma_wait3A_1050 : memref<!tpu.dma_semaphore, #tpu.memory_space<semaphore_mem>>) src(%dma_wait3A_1056 : memref<256xi32, #tpu.memory_space<hbm>>) dst(%dma_wait3A_1053 : memref<256xi32, #tpu.memory_space<vmem>>)
      %dma_wait3A_1057 = arith.constant 1 : i32
      %dma_wait3A_1058 = arith.constant 1 : i32
      %dma_wait3A_1059 = arith.constant 0 : i32
      %dma_wait3A_1060 = arith.constant 0 : i32
      %dma_wait3A_1061 = tpu.memref_slice %arg6[%dma_wait3A_1057, %dma_wait3A_1059, %dma_wait3A_1060] : memref<2x256x128xf32, #tpu.memory_space<vmem>> -> memref<1x256x64xf32, #tpu.memory_space<vmem>>
      %dma_wait3A_1062 = tpu.memref_squeeze %dma_wait3A_1061 : memref<1x256x64xf32, #tpu.memory_space<vmem>> -> memref<256x64xf32, #tpu.memory_space<vmem>>
      %dma_wait3A_1063 = arith.constant 0 : i32
      %dma_wait3A_1064 = arith.constant 0 : i32
      %dma_wait3A_1065 = tpu.memref_slice %arg4[%dma_wait3A_1063, %dma_wait3A_1064] : memref<819200x128xf32, #tpu.memory_space<hbm>> -> memref<256x64xf32, #tpu.memory_space<hbm>>
      %dma_wait3A_1066 = tpu.memref_slice %arg9[%dma_wait3A_1058] : memref<2x!tpu.dma_semaphore, #tpu.memory_space<semaphore_mem>> -> memref<1x!tpu.dma_semaphore, #tpu.memory_space<semaphore_mem>>
      %dma_wait3A_1067 = tpu.memref_squeeze %dma_wait3A_1066 : memref<1x!tpu.dma_semaphore, #tpu.memory_space<semaphore_mem>> -> memref<!tpu.dma_semaphore, #tpu.memory_space<semaphore_mem>>
      %dma_wait3A_1068 = arith.constant 0 : i32
      %dma_wait3A_1069 = arith.constant 0 : i32
      %dma_wait3A_1070 = tpu.memref_slice %arg4[%dma_wait3A_1068, %dma_wait3A_1069] : memref<819200x128xf32, #tpu.memory_space<hbm>> -> memref<256x64xf32, #tpu.memory_space<hbm>>
      %dma_wait3A_1071 = arith.constant 0 : i32
      %dma_wait3A_1072 = arith.constant 0 : i32
      %dma_wait3A_1073 = tpu.memref_slice %arg6[%dma_wait3A_1057, %dma_wait3A_1071, %dma_wait3A_1072] : memref<2x256x128xf32, #tpu.memory_space<vmem>> -> memref<1x256x64xf32, #tpu.memory_space<vmem>>
      %dma_wait3A_1074 = tpu.memref_squeeze %dma_wait3A_1073 : memref<1x256x64xf32, #tpu.memory_space<vmem>> -> memref<256x64xf32, #tpu.memory_space<vmem>>
      tpu.wait_dma2 semaphore(%dma_wait3A_1067 : memref<!tpu.dma_semaphore, #tpu.memory_space<semaphore_mem>>) src(%dma_wait3A_1074 : memref<256x64xf32, #tpu.memory_space<vmem>>) dst(%dma_wait3A_1070 : memref<256x64xf32, #tpu.memory_space<hbm>>)
      %dma_start3A_1075 = arith.constant 1 : i32
      %dma_start3A_1076 = arith.constant 1 : i32
      %dma_start3A_1077 = arith.constant 1 : i32
      %dma_start3A_1078 = arith.constant 0 : i32
      %dma_start3A_1079 = arith.constant 0 : i32
      %dma_start3A_1080 = tpu.memref_slice %arg6[%dma_start3A_1076, %dma_start3A_1078, %dma_start3A_1079] : memref<2x256x128xf32, #tpu.memory_space<vmem>> -> memref<1x256x128xf32, #tpu.memory_space<vmem>>
      %dma_start3A_1081 = tpu.memref_squeeze %dma_start3A_1080 : memref<1x256x128xf32, #tpu.memory_space<vmem>> -> memref<256x128xf32, #tpu.memory_space<vmem>>
      %dma_start3A_1082 = arith.constant 0 : i32
      %dma_start3A_1083 = tpu.memref_slice %arg5[%dma_start3A_1075, %dma_start3A_1082] : memref<4x256xi32, #tpu.memory_space<vmem>> -> memref<1x256xi32, #tpu.memory_space<vmem>>
      %dma_start3A_1084 = tpu.memref_squeeze %dma_start3A_1083 : memref<1x256xi32, #tpu.memory_space<vmem>> -> memref<256xi32, #tpu.memory_space<vmem>>
      %dma_start3A_1085 = arith.constant 0 : i32
      %dma_start3A_1086 = arith.constant 0 : i32
      %dma_start3A_1087 = tpu.memref_slice %arg3[%dma_start3A_1085, %dma_start3A_1086] : memref<1000000x128xf32, #tpu.memory_space<hbm>> -> memref<1000000x128xf32, #tpu.memory_space<hbm>>
      %dma_start3A_1088 = tpu.memref_slice %arg8[%dma_start3A_1077] : memref<2x!tpu.dma_semaphore, #tpu.memory_space<semaphore_mem>> -> memref<1x!tpu.dma_semaphore, #tpu.memory_space<semaphore_mem>>
      %dma_start3A_1089 = tpu.memref_squeeze %dma_start3A_1088 : memref<1x!tpu.dma_semaphore, #tpu.memory_space<semaphore_mem>> -> memref<!tpu.dma_semaphore, #tpu.memory_space<semaphore_mem>>
      tpu.enqueue_indirect_dma source(%dma_start3A_1087 : memref<1000000x128xf32, #tpu.memory_space<hbm>>) target(%dma_start3A_1081 : memref<256x128xf32, #tpu.memory_space<vmem>>) offsets(%dma_start3A_1084 : memref<256xi32, #tpu.memory_space<vmem>>) semaphore(%dma_start3A_1089 : memref<!tpu.dma_semaphore, #tpu.memory_space<semaphore_mem>>)
      %add3A_1090 = arith.constant 2 : i32
      %add3A_1091 = arith.addi %add3A_1039, %add3A_1090 : i32
      %mul3A_1092 = arith.constant 32 : i32
      %mul3A_1093 = arith.muli %add3A_1091, %mul3A_1092 : i32
      %add3A_1094 = arith.addi %add3A, %mul3A_1093 : i32
      %jit3A_1095 = arith.constant 16 : i32
      %div3A_1096 = arith.divsi %add3A_1094, %jit3A_1095 : i32
      %sign3A_1097 = arith.constant 0 : i32
      %sign3A_1098 = arith.cmpi sgt, %add3A_1094, %sign3A_1097 : i32
      %sign3A_1099 = arith.extui %sign3A_1098 : i1 to i32
      %sign3A_1100 = arith.constant 0 : i32
      %sign3A_1101 = arith.cmpi slt, %add3A_1094, %sign3A_1100 : i32
      %sign3A_1102 = arith.extui %sign3A_1101 : i1 to i32
      %sign3A_1103 = arith.subi %sign3A_1099, %sign3A_1102 : i32
      %sign3A_1104 = arith.constant 0 : i32
      %sign3A_1105 = arith.cmpi sgt, %jit3A_1095, %sign3A_1104 : i32
      %sign3A_1106 = arith.extui %sign3A_1105 : i1 to i32
      %sign3A_1107 = arith.constant 0 : i32
      %sign3A_1108 = arith.cmpi slt, %jit3A_1095, %sign3A_1107 : i32
      %sign3A_1109 = arith.extui %sign3A_1108 : i1 to i32
      %sign3A_1110 = arith.subi %sign3A_1106, %sign3A_1109 : i32
      %ne3A_1111 = arith.cmpi ne, %sign3A_1103, %sign3A_1110 : i32
      %rem3A_1112 = arith.remsi %add3A_1094, %jit3A_1095 : i32
      %ne3A_1113 = arith.constant 0 : i32
      %ne3A_1114 = arith.cmpi ne, %rem3A_1112, %ne3A_1113 : i32
      %and3A_1115 = arith.andi %ne3A_1111, %ne3A_1114 : i1
      %sub3A_1116 = arith.constant 1 : i32
      %sub3A_1117 = arith.subi %div3A_1096, %sub3A_1116 : i32
      %select_n3A_1118 = arith.select %and3A_1115, %sub3A_1117, %div3A_1096 : i32
      %jit3A_1119 = arith.constant 16 : i32
      %eq3A_1120 = arith.constant 0 : i32
      %eq3A_1121 = arith.cmpi eq, %jit3A_1119, %eq3A_1120 : i32
      %jit3A_1122 = arith.constant 1 : i32
      %select_n3A_1123 = arith.select %eq3A_1121, %jit3A_1122, %jit3A_1119 : i32
      %rem3A_1124 = arith.remsi %add3A_1094, %select_n3A_1123 : i32
      %ne3A_1125 = arith.constant 0 : i32
      %ne3A_1126 = arith.cmpi ne, %rem3A_1124, %ne3A_1125 : i32
      %lt3A_1127 = arith.constant 0 : i32
      %lt3A_1128 = arith.cmpi slt, %rem3A_1124, %lt3A_1127 : i32
      %lt3A_1129 = arith.constant 0 : i32
      %lt3A_1130 = arith.cmpi slt, %select_n3A_1123, %lt3A_1129 : i32
      %ne3A_1131 = arith.xori %lt3A_1128, %lt3A_1130 : i1
      %and3A_1132 = arith.andi %ne3A_1131, %ne3A_1126 : i1
      %add3A_1133 = arith.addi %rem3A_1124, %select_n3A_1123 : i32
      %select_n3A_1134 = arith.select %and3A_1132, %add3A_1133, %rem3A_1124 : i32
      %mul3A_1135 = arith.constant 256 : i32
      %mul3A_1136 = arith.muli %select_n3A_1134, %mul3A_1135 : i32
      %dma_start3A_1137 = arith.constant 3 : i32
      %dma_start3A_1138 = arith.constant 3 : i32
      %dma_start3A_1139 = arith.constant 0 : i32
      %dma_start3A_1140 = tpu.memref_slice %arg5[%dma_start3A_1137, %dma_start3A_1139] : memref<4x256xi32, #tpu.memory_space<vmem>> -> memref<1x256xi32, #tpu.memory_space<vmem>>
      %dma_start3A_1141 = tpu.memref_squeeze %dma_start3A_1140 : memref<1x256xi32, #tpu.memory_space<vmem>> -> memref<256xi32, #tpu.memory_space<vmem>>
      %dma_start3A_1142 = tpu.memref_slice %arg2[%select_n3A_1118, %mul3A_1136] : memref<200x4096xi32, #tpu.memory_space<hbm>> -> memref<1x256xi32, #tpu.memory_space<hbm>>
      %dma_start3A_1143 = tpu.memref_squeeze %dma_start3A_1142 : memref<1x256xi32, #tpu.memory_space<hbm>> -> memref<256xi32, #tpu.memory_space<hbm>>
      %dma_start3A_1144 = tpu.memref_slice %arg7[%dma_start3A_1138] : memref<4x!tpu.dma_semaphore, #tpu.memory_space<semaphore_mem>> -> memref<1x!tpu.dma_semaphore, #tpu.memory_space<semaphore_mem>>
      %dma_start3A_1145 = tpu.memref_squeeze %dma_start3A_1144 : memref<1x!tpu.dma_semaphore, #tpu.memory_space<semaphore_mem>> -> memref<!tpu.dma_semaphore, #tpu.memory_space<semaphore_mem>>
      %dma_start3A_1146 = arith.constant 0 : i32
      %dma_start3A_1147 = tpu.memref_slice %arg5[%dma_start3A_1137, %dma_start3A_1146] : memref<4x256xi32, #tpu.memory_space<vmem>> -> memref<1x256xi32, #tpu.memory_space<vmem>>
      %dma_start3A_1148 = tpu.memref_squeeze %dma_start3A_1147 : memref<1x256xi32, #tpu.memory_space<vmem>> -> memref<256xi32, #tpu.memory_space<vmem>>
      %dma_start3A_1149 = tpu.memref_slice %arg2[%select_n3A_1118, %mul3A_1136] : memref<200x4096xi32, #tpu.memory_space<hbm>> -> memref<1x256xi32, #tpu.memory_space<hbm>>
      %dma_start3A_1150 = tpu.memref_squeeze %dma_start3A_1149 : memref<1x256xi32, #tpu.memory_space<hbm>> -> memref<256xi32, #tpu.memory_space<hbm>>
      tpu.enqueue_dma source(%dma_start3A_1150 : memref<256xi32, #tpu.memory_space<hbm>>) target(%dma_start3A_1148 : memref<256xi32, #tpu.memory_space<vmem>>) target_semaphore(%dma_start3A_1145 : memref<!tpu.dma_semaphore, #tpu.memory_space<semaphore_mem>>)
      %dma_wait3A_1151 = arith.constant 0 : i32
      %dma_wait3A_1152 = arith.constant 0 : i32
      %dma_wait3A_1153 = arith.constant 0 : i32
      %dma_wait3A_1154 = arith.constant 0 : i32
      %dma_wait3A_1155 = arith.constant 0 : i32
      %dma_wait3A_1156 = tpu.memref_slice %arg6[%dma_wait3A_1152, %dma_wait3A_1154, %dma_wait3A_1155] : memref<2x256x128xf32, #tpu.memory_space<vmem>> -> memref<1x256x128xf32, #tpu.memory_space<vmem>>
      %dma_wait3A_1157 = tpu.memref_squeeze %dma_wait3A_1156 : memref<1x256x128xf32, #tpu.memory_space<vmem>> -> memref<256x128xf32, #tpu.memory_space<vmem>>
      %dma_wait3A_1158 = arith.constant 0 : i32
      %dma_wait3A_1159 = tpu.memref_slice %arg5[%dma_wait3A_1151, %dma_wait3A_1158] : memref<4x256xi32, #tpu.memory_space<vmem>> -> memref<1x256xi32, #tpu.memory_space<vmem>>
      %dma_wait3A_1160 = tpu.memref_squeeze %dma_wait3A_1159 : memref<1x256xi32, #tpu.memory_space<vmem>> -> memref<256xi32, #tpu.memory_space<vmem>>
      %dma_wait3A_1161 = arith.constant 0 : i32
      %dma_wait3A_1162 = arith.constant 0 : i32
      %dma_wait3A_1163 = tpu.memref_slice %arg3[%dma_wait3A_1161, %dma_wait3A_1162] : memref<1000000x128xf32, #tpu.memory_space<hbm>> -> memref<1000000x128xf32, #tpu.memory_space<hbm>>
      %dma_wait3A_1164 = tpu.memref_slice %arg8[%dma_wait3A_1153] : memref<2x!tpu.dma_semaphore, #tpu.memory_space<semaphore_mem>> -> memref<1x!tpu.dma_semaphore, #tpu.memory_space<semaphore_mem>>
      %dma_wait3A_1165 = tpu.memref_squeeze %dma_wait3A_1164 : memref<1x!tpu.dma_semaphore, #tpu.memory_space<semaphore_mem>> -> memref<!tpu.dma_semaphore, #tpu.memory_space<semaphore_mem>>
      tpu.wait_indirect_dma semaphore(%dma_wait3A_1165 : memref<!tpu.dma_semaphore, #tpu.memory_space<semaphore_mem>>) src(%dma_wait3A_1163 : memref<1000000x128xf32, #tpu.memory_space<hbm>>) dst(%dma_wait3A_1157 : memref<256x128xf32, #tpu.memory_space<vmem>>)
      %sub3A_1166 = arith.constant 1 : i32
      %sub3A_1167 = arith.subi %add3A_1039, %sub3A_1166 : i32
      %mul3A_1168 = arith.constant 32 : i32
      %mul3A_1169 = arith.muli %sub3A_1167, %mul3A_1168 : i32
      %add3A_1170 = arith.addi %add3A, %mul3A_1169 : i32
      %mul3A_1171 = arith.constant 256 : i32
      %mul3A_1172 = arith.muli %add3A_1170, %mul3A_1171 : i32
      %dma_start3A_1173 = arith.constant 0 : i32
      %dma_start3A_1174 = arith.constant 0 : i32
      %dma_start3A_1175 = arith.constant 0 : i32
      %dma_start3A_1176 = arith.constant 0 : i32
      %dma_start3A_1177 = tpu.memref_slice %arg6[%dma_start3A_1173, %dma_start3A_1175, %dma_start3A_1176] : memref<2x256x128xf32, #tpu.memory_space<vmem>> -> memref<1x256x64xf32, #tpu.memory_space<vmem>>
      %dma_start3A_1178 = tpu.memref_squeeze %dma_start3A_1177 : memref<1x256x64xf32, #tpu.memory_space<vmem>> -> memref<256x64xf32, #tpu.memory_space<vmem>>
      %dma_start3A_1179 = arith.constant 0 : i32
      %dma_start3A_1180 = tpu.memref_slice %arg4[%mul3A_1172, %dma_start3A_1179] : memref<819200x128xf32, #tpu.memory_space<hbm>> -> memref<256x64xf32, #tpu.memory_space<hbm>>
      %dma_start3A_1181 = tpu.memref_slice %arg9[%dma_start3A_1174] : memref<2x!tpu.dma_semaphore, #tpu.memory_space<semaphore_mem>> -> memref<1x!tpu.dma_semaphore, #tpu.memory_space<semaphore_mem>>
      %dma_start3A_1182 = tpu.memref_squeeze %dma_start3A_1181 : memref<1x!tpu.dma_semaphore, #tpu.memory_space<semaphore_mem>> -> memref<!tpu.dma_semaphore, #tpu.memory_space<semaphore_mem>>
      %dma_start3A_1183 = arith.constant 0 : i32
      %dma_start3A_1184 = tpu.memref_slice %arg4[%mul3A_1172, %dma_start3A_1183] : memref<819200x128xf32, #tpu.memory_space<hbm>> -> memref<256x64xf32, #tpu.memory_space<hbm>>
      %dma_start3A_1185 = arith.constant 0 : i32
      %dma_start3A_1186 = arith.constant 0 : i32
      %dma_start3A_1187 = tpu.memref_slice %arg6[%dma_start3A_1173, %dma_start3A_1185, %dma_start3A_1186] : memref<2x256x128xf32, #tpu.memory_space<vmem>> -> memref<1x256x64xf32, #tpu.memory_space<vmem>>
      %dma_start3A_1188 = tpu.memref_squeeze %dma_start3A_1187 : memref<1x256x64xf32, #tpu.memory_space<vmem>> -> memref<256x64xf32, #tpu.memory_space<vmem>>
      tpu.enqueue_dma source(%dma_start3A_1188 : memref<256x64xf32, #tpu.memory_space<vmem>>) target(%dma_start3A_1184 : memref<256x64xf32, #tpu.memory_space<hbm>>) target_semaphore(%dma_start3A_1182 : memref<!tpu.dma_semaphore, #tpu.memory_space<semaphore_mem>>)
      %scan3A_1189 = arith.constant 0 : i32
      scf.yield %scan3A_1189 : i32
    }
    %scan3A_325 = arith.constant 24 : i32
    %dma_wait3A_326 = arith.constant 0 : i32
    %dma_wait3A_327 = arith.constant 2 : i32
    %dma_wait3A_328 = arith.constant 2 : i32
    %dma_wait3A_329 = arith.constant 0 : i32
    %dma_wait3A_330 = tpu.memref_slice %arg5[%dma_wait3A_327, %dma_wait3A_329] : memref<4x256xi32, #tpu.memory_space<vmem>> -> memref<1x256xi32, #tpu.memory_space<vmem>>
    %dma_wait3A_331 = tpu.memref_squeeze %dma_wait3A_330 : memref<1x256xi32, #tpu.memory_space<vmem>> -> memref<256xi32, #tpu.memory_space<vmem>>
    %dma_wait3A_332 = arith.constant 0 : i32
    %dma_wait3A_333 = tpu.memref_slice %arg2[%dma_wait3A_326, %dma_wait3A_332] : memref<200x4096xi32, #tpu.memory_space<hbm>> -> memref<1x256xi32, #tpu.memory_space<hbm>>
    %dma_wait3A_334 = tpu.memref_squeeze %dma_wait3A_333 : memref<1x256xi32, #tpu.memory_space<hbm>> -> memref<256xi32, #tpu.memory_space<hbm>>
    %dma_wait3A_335 = tpu.memref_slice %arg7[%dma_wait3A_328] : memref<4x!tpu.dma_semaphore, #tpu.memory_space<semaphore_mem>> -> memref<1x!tpu.dma_semaphore, #tpu.memory_space<semaphore_mem>>
    %dma_wait3A_336 = tpu.memref_squeeze %dma_wait3A_335 : memref<1x!tpu.dma_semaphore, #tpu.memory_space<semaphore_mem>> -> memref<!tpu.dma_semaphore, #tpu.memory_space<semaphore_mem>>
    %dma_wait3A_337 = arith.constant 0 : i32
    %dma_wait3A_338 = tpu.memref_slice %arg5[%dma_wait3A_327, %dma_wait3A_337] : memref<4x256xi32, #tpu.memory_space<vmem>> -> memref<1x256xi32, #tpu.memory_space<vmem>>
    %dma_wait3A_339 = tpu.memref_squeeze %dma_wait3A_338 : memref<1x256xi32, #tpu.memory_space<vmem>> -> memref<256xi32, #tpu.memory_space<vmem>>
    %dma_wait3A_340 = arith.constant 0 : i32
    %dma_wait3A_341 = tpu.memref_slice %arg2[%dma_wait3A_326, %dma_wait3A_340] : memref<200x4096xi32, #tpu.memory_space<hbm>> -> memref<1x256xi32, #tpu.memory_space<hbm>>
    %dma_wait3A_342 = tpu.memref_squeeze %dma_wait3A_341 : memref<1x256xi32, #tpu.memory_space<hbm>> -> memref<256xi32, #tpu.memory_space<hbm>>
    tpu.wait_dma2 semaphore(%dma_wait3A_336 : memref<!tpu.dma_semaphore, #tpu.memory_space<semaphore_mem>>) src(%dma_wait3A_342 : memref<256xi32, #tpu.memory_space<hbm>>) dst(%dma_wait3A_339 : memref<256xi32, #tpu.memory_space<vmem>>)
    %dma_wait3A_343 = arith.constant 0 : i32
    %dma_wait3A_344 = arith.constant 0 : i32
    %dma_wait3A_345 = arith.constant 0 : i32
    %dma_wait3A_346 = arith.constant 0 : i32
    %dma_wait3A_347 = tpu.memref_slice %arg6[%dma_wait3A_343, %dma_wait3A_345, %dma_wait3A_346] : memref<2x256x128xf32, #tpu.memory_space<vmem>> -> memref<1x256x64xf32, #tpu.memory_space<vmem>>
    %dma_wait3A_348 = tpu.memref_squeeze %dma_wait3A_347 : memref<1x256x64xf32, #tpu.memory_space<vmem>> -> memref<256x64xf32, #tpu.memory_space<vmem>>
    %dma_wait3A_349 = arith.constant 0 : i32
    %dma_wait3A_350 = arith.constant 0 : i32
    %dma_wait3A_351 = tpu.memref_slice %arg4[%dma_wait3A_349, %dma_wait3A_350] : memref<819200x128xf32, #tpu.memory_space<hbm>> -> memref<256x64xf32, #tpu.memory_space<hbm>>
    %dma_wait3A_352 = tpu.memref_slice %arg9[%dma_wait3A_344] : memref<2x!tpu.dma_semaphore, #tpu.memory_space<semaphore_mem>> -> memref<1x!tpu.dma_semaphore, #tpu.memory_space<semaphore_mem>>
    %dma_wait3A_353 = tpu.memref_squeeze %dma_wait3A_352 : memref<1x!tpu.dma_semaphore, #tpu.memory_space<semaphore_mem>> -> memref<!tpu.dma_semaphore, #tpu.memory_space<semaphore_mem>>
    %dma_wait3A_354 = arith.constant 0 : i32
    %dma_wait3A_355 = arith.constant 0 : i32
    %dma_wait3A_356 = tpu.memref_slice %arg4[%dma_wait3A_354, %dma_wait3A_355] : memref<819200x128xf32, #tpu.memory_space<hbm>> -> memref<256x64xf32, #tpu.memory_space<hbm>>
    %dma_wait3A_357 = arith.constant 0 : i32
    %dma_wait3A_358 = arith.constant 0 : i32
    %dma_wait3A_359 = tpu.memref_slice %arg6[%dma_wait3A_343, %dma_wait3A_357, %dma_wait3A_358] : memref<2x256x128xf32, #tpu.memory_space<vmem>> -> memref<1x256x64xf32, #tpu.memory_space<vmem>>
    %dma_wait3A_360 = tpu.memref_squeeze %dma_wait3A_359 : memref<1x256x64xf32, #tpu.memory_space<vmem>> -> memref<256x64xf32, #tpu.memory_space<vmem>>
    tpu.wait_dma2 semaphore(%dma_wait3A_353 : memref<!tpu.dma_semaphore, #tpu.memory_space<semaphore_mem>>) src(%dma_wait3A_360 : memref<256x64xf32, #tpu.memory_space<vmem>>) dst(%dma_wait3A_356 : memref<256x64xf32, #tpu.memory_space<hbm>>)
    %dma_start3A_361 = arith.constant 2 : i32
    %dma_start3A_362 = arith.constant 0 : i32
    %dma_start3A_363 = arith.constant 0 : i32
    %dma_start3A_364 = arith.constant 0 : i32
    %dma_start3A_365 = arith.constant 0 : i32
    %dma_start3A_366 = tpu.memref_slice %arg6[%dma_start3A_362, %dma_start3A_364, %dma_start3A_365] : memref<2x256x128xf32, #tpu.memory_space<vmem>> -> memref<1x256x128xf32, #tpu.memory_space<vmem>>
    %dma_start3A_367 = tpu.memref_squeeze %dma_start3A_366 : memref<1x256x128xf32, #tpu.memory_space<vmem>> -> memref<256x128xf32, #tpu.memory_space<vmem>>
    %dma_start3A_368 = arith.constant 0 : i32
    %dma_start3A_369 = tpu.memref_slice %arg5[%dma_start3A_361, %dma_start3A_368] : memref<4x256xi32, #tpu.memory_space<vmem>> -> memref<1x256xi32, #tpu.memory_space<vmem>>
    %dma_start3A_370 = tpu.memref_squeeze %dma_start3A_369 : memref<1x256xi32, #tpu.memory_space<vmem>> -> memref<256xi32, #tpu.memory_space<vmem>>
    %dma_start3A_371 = arith.constant 0 : i32
    %dma_start3A_372 = arith.constant 0 : i32
    %dma_start3A_373 = tpu.memref_slice %arg3[%dma_start3A_371, %dma_start3A_372] : memref<1000000x128xf32, #tpu.memory_space<hbm>> -> memref<1000000x128xf32, #tpu.memory_space<hbm>>
    %dma_start3A_374 = tpu.memref_slice %arg8[%dma_start3A_363] : memref<2x!tpu.dma_semaphore, #tpu.memory_space<semaphore_mem>> -> memref<1x!tpu.dma_semaphore, #tpu.memory_space<semaphore_mem>>
    %dma_start3A_375 = tpu.memref_squeeze %dma_start3A_374 : memref<1x!tpu.dma_semaphore, #tpu.memory_space<semaphore_mem>> -> memref<!tpu.dma_semaphore, #tpu.memory_space<semaphore_mem>>
    tpu.enqueue_indirect_dma source(%dma_start3A_373 : memref<1000000x128xf32, #tpu.memory_space<hbm>>) target(%dma_start3A_367 : memref<256x128xf32, #tpu.memory_space<vmem>>) offsets(%dma_start3A_370 : memref<256xi32, #tpu.memory_space<vmem>>) semaphore(%dma_start3A_375 : memref<!tpu.dma_semaphore, #tpu.memory_space<semaphore_mem>>)
    %dma_wait3A_376 = arith.constant 0 : i32
    %dma_wait3A_377 = arith.constant 1 : i32
    %dma_wait3A_378 = arith.constant 1 : i32
    %dma_wait3A_379 = arith.constant 0 : i32
    %dma_wait3A_380 = arith.constant 0 : i32
    %dma_wait3A_381 = tpu.memref_slice %arg6[%dma_wait3A_377, %dma_wait3A_379, %dma_wait3A_380] : memref<2x256x128xf32, #tpu.memory_space<vmem>> -> memref<1x256x128xf32, #tpu.memory_space<vmem>>
    %dma_wait3A_382 = tpu.memref_squeeze %dma_wait3A_381 : memref<1x256x128xf32, #tpu.memory_space<vmem>> -> memref<256x128xf32, #tpu.memory_space<vmem>>
    %dma_wait3A_383 = arith.constant 0 : i32
    %dma_wait3A_384 = tpu.memref_slice %arg5[%dma_wait3A_376, %dma_wait3A_383] : memref<4x256xi32, #tpu.memory_space<vmem>> -> memref<1x256xi32, #tpu.memory_space<vmem>>
    %dma_wait3A_385 = tpu.memref_squeeze %dma_wait3A_384 : memref<1x256xi32, #tpu.memory_space<vmem>> -> memref<256xi32, #tpu.memory_space<vmem>>
    %dma_wait3A_386 = arith.constant 0 : i32
    %dma_wait3A_387 = arith.constant 0 : i32
    %dma_wait3A_388 = tpu.memref_slice %arg3[%dma_wait3A_386, %dma_wait3A_387] : memref<1000000x128xf32, #tpu.memory_space<hbm>> -> memref<1000000x128xf32, #tpu.memory_space<hbm>>
    %dma_wait3A_389 = tpu.memref_slice %arg8[%dma_wait3A_378] : memref<2x!tpu.dma_semaphore, #tpu.memory_space<semaphore_mem>> -> memref<1x!tpu.dma_semaphore, #tpu.memory_space<semaphore_mem>>
    %dma_wait3A_390 = tpu.memref_squeeze %dma_wait3A_389 : memref<1x!tpu.dma_semaphore, #tpu.memory_space<semaphore_mem>> -> memref<!tpu.dma_semaphore, #tpu.memory_space<semaphore_mem>>
    tpu.wait_indirect_dma semaphore(%dma_wait3A_390 : memref<!tpu.dma_semaphore, #tpu.memory_space<semaphore_mem>>) src(%dma_wait3A_388 : memref<1000000x128xf32, #tpu.memory_space<hbm>>) dst(%dma_wait3A_382 : memref<256x128xf32, #tpu.memory_space<vmem>>)
    %add3A_391 = arith.constant 3104 : i32
    %add3A_392 = arith.addi %add3A, %add3A_391 : i32
    %mul3A_393 = arith.constant 256 : i32
    %mul3A_394 = arith.muli %add3A_392, %mul3A_393 : i32
    %dma_start3A_395 = arith.constant 1 : i32
    %dma_start3A_396 = arith.constant 1 : i32
    %dma_start3A_397 = arith.constant 0 : i32
    %dma_start3A_398 = arith.constant 0 : i32
    %dma_start3A_399 = tpu.memref_slice %arg6[%dma_start3A_395, %dma_start3A_397, %dma_start3A_398] : memref<2x256x128xf32, #tpu.memory_space<vmem>> -> memref<1x256x64xf32, #tpu.memory_space<vmem>>
    %dma_start3A_400 = tpu.memref_squeeze %dma_start3A_399 : memref<1x256x64xf32, #tpu.memory_space<vmem>> -> memref<256x64xf32, #tpu.memory_space<vmem>>
    %dma_start3A_401 = arith.constant 0 : i32
    %dma_start3A_402 = tpu.memref_slice %arg4[%mul3A_394, %dma_start3A_401] : memref<819200x128xf32, #tpu.memory_space<hbm>> -> memref<256x64xf32, #tpu.memory_space<hbm>>
    %dma_start3A_403 = tpu.memref_slice %arg9[%dma_start3A_396] : memref<2x!tpu.dma_semaphore, #tpu.memory_space<semaphore_mem>> -> memref<1x!tpu.dma_semaphore, #tpu.memory_space<semaphore_mem>>
    %dma_start3A_404 = tpu.memref_squeeze %dma_start3A_403 : memref<1x!tpu.dma_semaphore, #tpu.memory_space<semaphore_mem>> -> memref<!tpu.dma_semaphore, #tpu.memory_space<semaphore_mem>>
    %dma_start3A_405 = arith.constant 0 : i32
    %dma_start3A_406 = tpu.memref_slice %arg4[%mul3A_394, %dma_start3A_405] : memref<819200x128xf32, #tpu.memory_space<hbm>> -> memref<256x64xf32, #tpu.memory_space<hbm>>
    %dma_start3A_407 = arith.constant 0 : i32
    %dma_start3A_408 = arith.constant 0 : i32
    %dma_start3A_409 = tpu.memref_slice %arg6[%dma_start3A_395, %dma_start3A_407, %dma_start3A_408] : memref<2x256x128xf32, #tpu.memory_space<vmem>> -> memref<1x256x64xf32, #tpu.memory_space<vmem>>
    %dma_start3A_410 = tpu.memref_squeeze %dma_start3A_409 : memref<1x256x64xf32, #tpu.memory_space<vmem>> -> memref<256x64xf32, #tpu.memory_space<vmem>>
    tpu.enqueue_dma source(%dma_start3A_410 : memref<256x64xf32, #tpu.memory_space<vmem>>) target(%dma_start3A_406 : memref<256x64xf32, #tpu.memory_space<hbm>>) target_semaphore(%dma_start3A_404 : memref<!tpu.dma_semaphore, #tpu.memory_space<semaphore_mem>>)
    %dma_wait3A_411 = arith.constant 0 : i32
    %dma_wait3A_412 = arith.constant 3 : i32
    %dma_wait3A_413 = arith.constant 3 : i32
    %dma_wait3A_414 = arith.constant 0 : i32
    %dma_wait3A_415 = tpu.memref_slice %arg5[%dma_wait3A_412, %dma_wait3A_414] : memref<4x256xi32, #tpu.memory_space<vmem>> -> memref<1x256xi32, #tpu.memory_space<vmem>>
    %dma_wait3A_416 = tpu.memref_squeeze %dma_wait3A_415 : memref<1x256xi32, #tpu.memory_space<vmem>> -> memref<256xi32, #tpu.memory_space<vmem>>
    %dma_wait3A_417 = arith.constant 0 : i32
    %dma_wait3A_418 = tpu.memref_slice %arg2[%dma_wait3A_411, %dma_wait3A_417] : memref<200x4096xi32, #tpu.memory_space<hbm>> -> memref<1x256xi32, #tpu.memory_space<hbm>>
    %dma_wait3A_419 = tpu.memref_squeeze %dma_wait3A_418 : memref<1x256xi32, #tpu.memory_space<hbm>> -> memref<256xi32, #tpu.memory_space<hbm>>
    %dma_wait3A_420 = tpu.memref_slice %arg7[%dma_wait3A_413] : memref<4x!tpu.dma_semaphore, #tpu.memory_space<semaphore_mem>> -> memref<1x!tpu.dma_semaphore, #tpu.memory_space<semaphore_mem>>
    %dma_wait3A_421 = tpu.memref_squeeze %dma_wait3A_420 : memref<1x!tpu.dma_semaphore, #tpu.memory_space<semaphore_mem>> -> memref<!tpu.dma_semaphore, #tpu.memory_space<semaphore_mem>>
    %dma_wait3A_422 = arith.constant 0 : i32
    %dma_wait3A_423 = tpu.memref_slice %arg5[%dma_wait3A_412, %dma_wait3A_422] : memref<4x256xi32, #tpu.memory_space<vmem>> -> memref<1x256xi32, #tpu.memory_space<vmem>>
    %dma_wait3A_424 = tpu.memref_squeeze %dma_wait3A_423 : memref<1x256xi32, #tpu.memory_space<vmem>> -> memref<256xi32, #tpu.memory_space<vmem>>
    %dma_wait3A_425 = arith.constant 0 : i32
    %dma_wait3A_426 = tpu.memref_slice %arg2[%dma_wait3A_411, %dma_wait3A_425] : memref<200x4096xi32, #tpu.memory_space<hbm>> -> memref<1x256xi32, #tpu.memory_space<hbm>>
    %dma_wait3A_427 = tpu.memref_squeeze %dma_wait3A_426 : memref<1x256xi32, #tpu.memory_space<hbm>> -> memref<256xi32, #tpu.memory_space<hbm>>
    tpu.wait_dma2 semaphore(%dma_wait3A_421 : memref<!tpu.dma_semaphore, #tpu.memory_space<semaphore_mem>>) src(%dma_wait3A_427 : memref<256xi32, #tpu.memory_space<hbm>>) dst(%dma_wait3A_424 : memref<256xi32, #tpu.memory_space<vmem>>)
    %dma_wait3A_428 = arith.constant 1 : i32
    %dma_wait3A_429 = arith.constant 1 : i32
    %dma_wait3A_430 = arith.constant 0 : i32
    %dma_wait3A_431 = arith.constant 0 : i32
    %dma_wait3A_432 = tpu.memref_slice %arg6[%dma_wait3A_428, %dma_wait3A_430, %dma_wait3A_431] : memref<2x256x128xf32, #tpu.memory_space<vmem>> -> memref<1x256x64xf32, #tpu.memory_space<vmem>>
    %dma_wait3A_433 = tpu.memref_squeeze %dma_wait3A_432 : memref<1x256x64xf32, #tpu.memory_space<vmem>> -> memref<256x64xf32, #tpu.memory_space<vmem>>
    %dma_wait3A_434 = arith.constant 0 : i32
    %dma_wait3A_435 = arith.constant 0 : i32
    %dma_wait3A_436 = tpu.memref_slice %arg4[%dma_wait3A_434, %dma_wait3A_435] : memref<819200x128xf32, #tpu.memory_space<hbm>> -> memref<256x64xf32, #tpu.memory_space<hbm>>
    %dma_wait3A_437 = tpu.memref_slice %arg9[%dma_wait3A_429] : memref<2x!tpu.dma_semaphore, #tpu.memory_space<semaphore_mem>> -> memref<1x!tpu.dma_semaphore, #tpu.memory_space<semaphore_mem>>
    %dma_wait3A_438 = tpu.memref_squeeze %dma_wait3A_437 : memref<1x!tpu.dma_semaphore, #tpu.memory_space<semaphore_mem>> -> memref<!tpu.dma_semaphore, #tpu.memory_space<semaphore_mem>>
    %dma_wait3A_439 = arith.constant 0 : i32
    %dma_wait3A_440 = arith.constant 0 : i32
    %dma_wait3A_441 = tpu.memref_slice %arg4[%dma_wait3A_439, %dma_wait3A_440] : memref<819200x128xf32, #tpu.memory_space<hbm>> -> memref<256x64xf32, #tpu.memory_space<hbm>>
    %dma_wait3A_442 = arith.constant 0 : i32
    %dma_wait3A_443 = arith.constant 0 : i32
    %dma_wait3A_444 = tpu.memref_slice %arg6[%dma_wait3A_428, %dma_wait3A_442, %dma_wait3A_443] : memref<2x256x128xf32, #tpu.memory_space<vmem>> -> memref<1x256x64xf32, #tpu.memory_space<vmem>>
    %dma_wait3A_445 = tpu.memref_squeeze %dma_wait3A_444 : memref<1x256x64xf32, #tpu.memory_space<vmem>> -> memref<256x64xf32, #tpu.memory_space<vmem>>
    tpu.wait_dma2 semaphore(%dma_wait3A_438 : memref<!tpu.dma_semaphore, #tpu.memory_space<semaphore_mem>>) src(%dma_wait3A_445 : memref<256x64xf32, #tpu.memory_space<vmem>>) dst(%dma_wait3A_441 : memref<256x64xf32, #tpu.memory_space<hbm>>)
    %dma_start3A_446 = arith.constant 3 : i32
    %dma_start3A_447 = arith.constant 1 : i32
    %dma_start3A_448 = arith.constant 1 : i32
    %dma_start3A_449 = arith.constant 0 : i32
    %dma_start3A_450 = arith.constant 0 : i32
    %dma_start3A_451 = tpu.memref_slice %arg6[%dma_start3A_447, %dma_start3A_449, %dma_start3A_450] : memref<2x256x128xf32, #tpu.memory_space<vmem>> -> memref<1x256x128xf32, #tpu.memory_space<vmem>>
    %dma_start3A_452 = tpu.memref_squeeze %dma_start3A_451 : memref<1x256x128xf32, #tpu.memory_space<vmem>> -> memref<256x128xf32, #tpu.memory_space<vmem>>
    %dma_start3A_453 = arith.constant 0 : i32
    %dma_start3A_454 = tpu.memref_slice %arg5[%dma_start3A_446, %dma_start3A_453] : memref<4x256xi32, #tpu.memory_space<vmem>> -> memref<1x256xi32, #tpu.memory_space<vmem>>
    %dma_start3A_455 = tpu.memref_squeeze %dma_start3A_454 : memref<1x256xi32, #tpu.memory_space<vmem>> -> memref<256xi32, #tpu.memory_space<vmem>>
    %dma_start3A_456 = arith.constant 0 : i32
    %dma_start3A_457 = arith.constant 0 : i32
    %dma_start3A_458 = tpu.memref_slice %arg3[%dma_start3A_456, %dma_start3A_457] : memref<1000000x128xf32, #tpu.memory_space<hbm>> -> memref<1000000x128xf32, #tpu.memory_space<hbm>>
    %dma_start3A_459 = tpu.memref_slice %arg8[%dma_start3A_448] : memref<2x!tpu.dma_semaphore, #tpu.memory_space<semaphore_mem>> -> memref<1x!tpu.dma_semaphore, #tpu.memory_space<semaphore_mem>>
    %dma_start3A_460 = tpu.memref_squeeze %dma_start3A_459 : memref<1x!tpu.dma_semaphore, #tpu.memory_space<semaphore_mem>> -> memref<!tpu.dma_semaphore, #tpu.memory_space<semaphore_mem>>
    tpu.enqueue_indirect_dma source(%dma_start3A_458 : memref<1000000x128xf32, #tpu.memory_space<hbm>>) target(%dma_start3A_452 : memref<256x128xf32, #tpu.memory_space<vmem>>) offsets(%dma_start3A_455 : memref<256xi32, #tpu.memory_space<vmem>>) semaphore(%dma_start3A_460 : memref<!tpu.dma_semaphore, #tpu.memory_space<semaphore_mem>>)
    %dma_wait3A_461 = arith.constant 0 : i32
    %dma_wait3A_462 = arith.constant 0 : i32
    %dma_wait3A_463 = arith.constant 0 : i32
    %dma_wait3A_464 = arith.constant 0 : i32
    %dma_wait3A_465 = arith.constant 0 : i32
    %dma_wait3A_466 = tpu.memref_slice %arg6[%dma_wait3A_462, %dma_wait3A_464, %dma_wait3A_465] : memref<2x256x128xf32, #tpu.memory_space<vmem>> -> memref<1x256x128xf32, #tpu.memory_space<vmem>>
    %dma_wait3A_467 = tpu.memref_squeeze %dma_wait3A_466 : memref<1x256x128xf32, #tpu.memory_space<vmem>> -> memref<256x128xf32, #tpu.memory_space<vmem>>
    %dma_wait3A_468 = arith.constant 0 : i32
    %dma_wait3A_469 = tpu.memref_slice %arg5[%dma_wait3A_461, %dma_wait3A_468] : memref<4x256xi32, #tpu.memory_space<vmem>> -> memref<1x256xi32, #tpu.memory_space<vmem>>
    %dma_wait3A_470 = tpu.memref_squeeze %dma_wait3A_469 : memref<1x256xi32, #tpu.memory_space<vmem>> -> memref<256xi32, #tpu.memory_space<vmem>>
    %dma_wait3A_471 = arith.constant 0 : i32
    %dma_wait3A_472 = arith.constant 0 : i32
    %dma_wait3A_473 = tpu.memref_slice %arg3[%dma_wait3A_471, %dma_wait3A_472] : memref<1000000x128xf32, #tpu.memory_space<hbm>> -> memref<1000000x128xf32, #tpu.memory_space<hbm>>
    %dma_wait3A_474 = tpu.memref_slice %arg8[%dma_wait3A_463] : memref<2x!tpu.dma_semaphore, #tpu.memory_space<semaphore_mem>> -> memref<1x!tpu.dma_semaphore, #tpu.memory_space<semaphore_mem>>
    %dma_wait3A_475 = tpu.memref_squeeze %dma_wait3A_474 : memref<1x!tpu.dma_semaphore, #tpu.memory_space<semaphore_mem>> -> memref<!tpu.dma_semaphore, #tpu.memory_space<semaphore_mem>>
    tpu.wait_indirect_dma semaphore(%dma_wait3A_475 : memref<!tpu.dma_semaphore, #tpu.memory_space<semaphore_mem>>) src(%dma_wait3A_473 : memref<1000000x128xf32, #tpu.memory_space<hbm>>) dst(%dma_wait3A_467 : memref<256x128xf32, #tpu.memory_space<vmem>>)
    %add3A_476 = arith.constant 3136 : i32
    %add3A_477 = arith.addi %add3A, %add3A_476 : i32
    %mul3A_478 = arith.constant 256 : i32
    %mul3A_479 = arith.muli %add3A_477, %mul3A_478 : i32
    %dma_start3A_480 = arith.constant 0 : i32
    %dma_start3A_481 = arith.constant 0 : i32
    %dma_start3A_482 = arith.constant 0 : i32
    %dma_start3A_483 = arith.constant 0 : i32
    %dma_start3A_484 = tpu.memref_slice %arg6[%dma_start3A_480, %dma_start3A_482, %dma_start3A_483] : memref<2x256x128xf32, #tpu.memory_space<vmem>> -> memref<1x256x64xf32, #tpu.memory_space<vmem>>
    %dma_start3A_485 = tpu.memref_squeeze %dma_start3A_484 : memref<1x256x64xf32, #tpu.memory_space<vmem>> -> memref<256x64xf32, #tpu.memory_space<vmem>>
    %dma_start3A_486 = arith.constant 0 : i32
    %dma_start3A_487 = tpu.memref_slice %arg4[%mul3A_479, %dma_start3A_486] : memref<819200x128xf32, #tpu.memory_space<hbm>> -> memref<256x64xf32, #tpu.memory_space<hbm>>
    %dma_start3A_488 = tpu.memref_slice %arg9[%dma_start3A_481] : memref<2x!tpu.dma_semaphore, #tpu.memory_space<semaphore_mem>> -> memref<1x!tpu.dma_semaphore, #tpu.memory_space<semaphore_mem>>
    %dma_start3A_489 = tpu.memref_squeeze %dma_start3A_488 : memref<1x!tpu.dma_semaphore, #tpu.memory_space<semaphore_mem>> -> memref<!tpu.dma_semaphore, #tpu.memory_space<semaphore_mem>>
    %dma_start3A_490 = arith.constant 0 : i32
    %dma_start3A_491 = tpu.memref_slice %arg4[%mul3A_479, %dma_start3A_490] : memref<819200x128xf32, #tpu.memory_space<hbm>> -> memref<256x64xf32, #tpu.memory_space<hbm>>
    %dma_start3A_492 = arith.constant 0 : i32
    %dma_start3A_493 = arith.constant 0 : i32
    %dma_start3A_494 = tpu.memref_slice %arg6[%dma_start3A_480, %dma_start3A_492, %dma_start3A_493] : memref<2x256x128xf32, #tpu.memory_space<vmem>> -> memref<1x256x64xf32, #tpu.memory_space<vmem>>
    %dma_start3A_495 = tpu.memref_squeeze %dma_start3A_494 : memref<1x256x64xf32, #tpu.memory_space<vmem>> -> memref<256x64xf32, #tpu.memory_space<vmem>>
    tpu.enqueue_dma source(%dma_start3A_495 : memref<256x64xf32, #tpu.memory_space<vmem>>) target(%dma_start3A_491 : memref<256x64xf32, #tpu.memory_space<hbm>>) target_semaphore(%dma_start3A_489 : memref<!tpu.dma_semaphore, #tpu.memory_space<semaphore_mem>>)
    %dma_wait3A_496 = arith.constant 0 : i32
    %dma_wait3A_497 = arith.constant 1 : i32
    %dma_wait3A_498 = arith.constant 1 : i32
    %dma_wait3A_499 = arith.constant 0 : i32
    %dma_wait3A_500 = arith.constant 0 : i32
    %dma_wait3A_501 = tpu.memref_slice %arg6[%dma_wait3A_497, %dma_wait3A_499, %dma_wait3A_500] : memref<2x256x128xf32, #tpu.memory_space<vmem>> -> memref<1x256x128xf32, #tpu.memory_space<vmem>>
    %dma_wait3A_502 = tpu.memref_squeeze %dma_wait3A_501 : memref<1x256x128xf32, #tpu.memory_space<vmem>> -> memref<256x128xf32, #tpu.memory_space<vmem>>
    %dma_wait3A_503 = arith.constant 0 : i32
    %dma_wait3A_504 = tpu.memref_slice %arg5[%dma_wait3A_496, %dma_wait3A_503] : memref<4x256xi32, #tpu.memory_space<vmem>> -> memref<1x256xi32, #tpu.memory_space<vmem>>
    %dma_wait3A_505 = tpu.memref_squeeze %dma_wait3A_504 : memref<1x256xi32, #tpu.memory_space<vmem>> -> memref<256xi32, #tpu.memory_space<vmem>>
    %dma_wait3A_506 = arith.constant 0 : i32
    %dma_wait3A_507 = arith.constant 0 : i32
    %dma_wait3A_508 = tpu.memref_slice %arg3[%dma_wait3A_506, %dma_wait3A_507] : memref<1000000x128xf32, #tpu.memory_space<hbm>> -> memref<1000000x128xf32, #tpu.memory_space<hbm>>
    %dma_wait3A_509 = tpu.memref_slice %arg8[%dma_wait3A_498] : memref<2x!tpu.dma_semaphore, #tpu.memory_space<semaphore_mem>> -> memref<1x!tpu.dma_semaphore, #tpu.memory_space<semaphore_mem>>
    %dma_wait3A_510 = tpu.memref_squeeze %dma_wait3A_509 : memref<1x!tpu.dma_semaphore, #tpu.memory_space<semaphore_mem>> -> memref<!tpu.dma_semaphore, #tpu.memory_space<semaphore_mem>>
    tpu.wait_indirect_dma semaphore(%dma_wait3A_510 : memref<!tpu.dma_semaphore, #tpu.memory_space<semaphore_mem>>) src(%dma_wait3A_508 : memref<1000000x128xf32, #tpu.memory_space<hbm>>) dst(%dma_wait3A_502 : memref<256x128xf32, #tpu.memory_space<vmem>>)
    %add3A_511 = arith.constant 3168 : i32
    %add3A_512 = arith.addi %add3A, %add3A_511 : i32
    %mul3A_513 = arith.constant 256 : i32
    %mul3A_514 = arith.muli %add3A_512, %mul3A_513 : i32
    %dma_start3A_515 = arith.constant 1 : i32
    %dma_start3A_516 = arith.constant 1 : i32
    %dma_start3A_517 = arith.constant 0 : i32
    %dma_start3A_518 = arith.constant 0 : i32
    %dma_start3A_519 = tpu.memref_slice %arg6[%dma_start3A_515, %dma_start3A_517, %dma_start3A_518] : memref<2x256x128xf32, #tpu.memory_space<vmem>> -> memref<1x256x64xf32, #tpu.memory_space<vmem>>
    %dma_start3A_520 = tpu.memref_squeeze %dma_start3A_519 : memref<1x256x64xf32, #tpu.memory_space<vmem>> -> memref<256x64xf32, #tpu.memory_space<vmem>>
    %dma_start3A_521 = arith.constant 0 : i32
    %dma_start3A_522 = tpu.memref_slice %arg4[%mul3A_514, %dma_start3A_521] : memref<819200x128xf32, #tpu.memory_space<hbm>> -> memref<256x64xf32, #tpu.memory_space<hbm>>
    %dma_start3A_523 = tpu.memref_slice %arg9[%dma_start3A_516] : memref<2x!tpu.dma_semaphore, #tpu.memory_space<semaphore_mem>> -> memref<1x!tpu.dma_semaphore, #tpu.memory_space<semaphore_mem>>
    %dma_start3A_524 = tpu.memref_squeeze %dma_start3A_523 : memref<1x!tpu.dma_semaphore, #tpu.memory_space<semaphore_mem>> -> memref<!tpu.dma_semaphore, #tpu.memory_space<semaphore_mem>>
    %dma_start3A_525 = arith.constant 0 : i32
    %dma_start3A_526 = tpu.memref_slice %arg4[%mul3A_514, %dma_start3A_525] : memref<819200x128xf32, #tpu.memory_space<hbm>> -> memref<256x64xf32, #tpu.memory_space<hbm>>
    %dma_start3A_527 = arith.constant 0 : i32
    %dma_start3A_528 = arith.constant 0 : i32
    %dma_start3A_529 = tpu.memref_slice %arg6[%dma_start3A_515, %dma_start3A_527, %dma_start3A_528] : memref<2x256x128xf32, #tpu.memory_space<vmem>> -> memref<1x256x64xf32, #tpu.memory_space<vmem>>
    %dma_start3A_530 = tpu.memref_squeeze %dma_start3A_529 : memref<1x256x64xf32, #tpu.memory_space<vmem>> -> memref<256x64xf32, #tpu.memory_space<vmem>>
    tpu.enqueue_dma source(%dma_start3A_530 : memref<256x64xf32, #tpu.memory_space<vmem>>) target(%dma_start3A_526 : memref<256x64xf32, #tpu.memory_space<hbm>>) target_semaphore(%dma_start3A_524 : memref<!tpu.dma_semaphore, #tpu.memory_space<semaphore_mem>>)
    %dma_wait3A_531 = arith.constant 0 : i32
    %dma_wait3A_532 = arith.constant 0 : i32
    %dma_wait3A_533 = arith.constant 0 : i32
    %dma_wait3A_534 = arith.constant 0 : i32
    %dma_wait3A_535 = tpu.memref_slice %arg6[%dma_wait3A_531, %dma_wait3A_533, %dma_wait3A_534] : memref<2x256x128xf32, #tpu.memory_space<vmem>> -> memref<1x256x64xf32, #tpu.memory_space<vmem>>
    %dma_wait3A_536 = tpu.memref_squeeze %dma_wait3A_535 : memref<1x256x64xf32, #tpu.memory_space<vmem>> -> memref<256x64xf32, #tpu.memory_space<vmem>>
    %dma_wait3A_537 = arith.constant 0 : i32
    %dma_wait3A_538 = arith.constant 0 : i32
    %dma_wait3A_539 = tpu.memref_slice %arg4[%dma_wait3A_537, %dma_wait3A_538] : memref<819200x128xf32, #tpu.memory_space<hbm>> -> memref<256x64xf32, #tpu.memory_space<hbm>>
    %dma_wait3A_540 = tpu.memref_slice %arg9[%dma_wait3A_532] : memref<2x!tpu.dma_semaphore, #tpu.memory_space<semaphore_mem>> -> memref<1x!tpu.dma_semaphore, #tpu.memory_space<semaphore_mem>>
    %dma_wait3A_541 = tpu.memref_squeeze %dma_wait3A_540 : memref<1x!tpu.dma_semaphore, #tpu.memory_space<semaphore_mem>> -> memref<!tpu.dma_semaphore, #tpu.memory_space<semaphore_mem>>
    %dma_wait3A_542 = arith.constant 0 : i32
    %dma_wait3A_543 = arith.constant 0 : i32
    %dma_wait3A_544 = tpu.memref_slice %arg4[%dma_wait3A_542, %dma_wait3A_543] : memref<819200x128xf32, #tpu.memory_space<hbm>> -> memref<256x64xf32, #tpu.memory_space<hbm>>
    %dma_wait3A_545 = arith.constant 0 : i32
    %dma_wait3A_546 = arith.constant 0 : i32
    %dma_wait3A_547 = tpu.memref_slice %arg6[%dma_wait3A_531, %dma_wait3A_545, %dma_wait3A_546] : memref<2x256x128xf32, #tpu.memory_space<vmem>> -> memref<1x256x64xf32, #tpu.memory_space<vmem>>
    %dma_wait3A_548 = tpu.memref_squeeze %dma_wait3A_547 : memref<1x256x64xf32, #tpu.memory_space<vmem>> -> memref<256x64xf32, #tpu.memory_space<vmem>>
    tpu.wait_dma2 semaphore(%dma_wait3A_541 : memref<!tpu.dma_semaphore, #tpu.memory_space<semaphore_mem>>) src(%dma_wait3A_548 : memref<256x64xf32, #tpu.memory_space<vmem>>) dst(%dma_wait3A_544 : memref<256x64xf32, #tpu.memory_space<hbm>>)
    %dma_wait3A_549 = arith.constant 1 : i32
    %dma_wait3A_550 = arith.constant 1 : i32
    %dma_wait3A_551 = arith.constant 0 : i32
    %dma_wait3A_552 = arith.constant 0 : i32
    %dma_wait3A_553 = tpu.memref_slice %arg6[%dma_wait3A_549, %dma_wait3A_551, %dma_wait3A_552] : memref<2x256x128xf32, #tpu.memory_space<vmem>> -> memref<1x256x64xf32, #tpu.memory_space<vmem>>
    %dma_wait3A_554 = tpu.memref_squeeze %dma_wait3A_553 : memref<1x256x64xf32, #tpu.memory_space<vmem>> -> memref<256x64xf32, #tpu.memory_space<vmem>>
    %dma_wait3A_555 = arith.constant 0 : i32
    %dma_wait3A_556 = arith.constant 0 : i32
    %dma_wait3A_557 = tpu.memref_slice %arg4[%dma_wait3A_555, %dma_wait3A_556] : memref<819200x128xf32, #tpu.memory_space<hbm>> -> memref<256x64xf32, #tpu.memory_space<hbm>>
    %dma_wait3A_558 = tpu.memref_slice %arg9[%dma_wait3A_550] : memref<2x!tpu.dma_semaphore, #tpu.memory_space<semaphore_mem>> -> memref<1x!tpu.dma_semaphore, #tpu.memory_space<semaphore_mem>>
    %dma_wait3A_559 = tpu.memref_squeeze %dma_wait3A_558 : memref<1x!tpu.dma_semaphore, #tpu.memory_space<semaphore_mem>> -> memref<!tpu.dma_semaphore, #tpu.memory_space<semaphore_mem>>
    %dma_wait3A_560 = arith.constant 0 : i32
    %dma_wait3A_561 = arith.constant 0 : i32
    %dma_wait3A_562 = tpu.memref_slice %arg4[%dma_wait3A_560, %dma_wait3A_561] : memref<819200x128xf32, #tpu.memory_space<hbm>> -> memref<256x64xf32, #tpu.memory_space<hbm>>
    %dma_wait3A_563 = arith.constant 0 : i32
    %dma_wait3A_564 = arith.constant 0 : i32
    %dma_wait3A_565 = tpu.memref_slice %arg6[%dma_wait3A_549, %dma_wait3A_563, %dma_wait3A_564] : memref<2x256x128xf32, #tpu.memory_space<vmem>> -> memref<1x256x64xf32, #tpu.memory_space<vmem>>
    %dma_wait3A_566 = tpu.memref_squeeze %dma_wait3A_565 : memref<1x256x64xf32, #tpu.memory_space<vmem>> -> memref<256x64xf32, #tpu.memory_space<vmem>>
    tpu.wait_dma2 semaphore(%dma_wait3A_559 : memref<!tpu.dma_semaphore, #tpu.memory_space<semaphore_mem>>) src(%dma_wait3A_566 : memref<256x64xf32, #tpu.memory_space<vmem>>) dst(%dma_wait3A_562 : memref<256x64xf32, #tpu.memory_space<hbm>>)
    return
  }
}

</mosaic_0001>

<sc_bundles>
// kernel: kernel.3.cloned.1.call-start
scs
__scs_entry_jumppad:
0x0: {  	(pc) =	sbr.rel $0x88, $3  }
0x1: {  	(tag) =	ssettag $0x0;
	lr =	simm.s32 $0x1  }
0x2: {  	[smem:$0x3F9F] =	sst lr;
	_ =	strace $0xD0000000  }
0x3: {  	_ = 	snop  }
0x4: {  	_ = 	snop  }
0x5: {  	_ = 	snop  }
0x6: {  	_ = 	snop  }
0x7: {  	_ = 	snop  }
__scs_overlays_trampoline_lowered:
0x8: {  	[smem:$0x3FAE] =	sst s0  }
0x9: {  	[smem:$0x3FAF] =	sst s1  }
0xa: {  	[smem:$0x3FB0] =	sst s2  }
0xb: {  	[smem:$0x3FB1] =	sst s3  }
0xc: {  	[smem:$0x3FB2] =	sst s4  }
0xd: {  	[smem:$0x3FB3] =	sst s5  }
0xe: {  	[smem:$0x3FB4] =	sst s6  }
0xf: {  	[smem:$0x3FB5] =	sst s7  }
0x10: {  	[smem:$0x3FB6] =	sst s8  }
0x11: {  	[smem:$0x3FB7] =	sst s9;
	s0 =	simm.s32 @!p0 $0x0  }
0x12: {  	s1 =	sld [smem:$0x3F9D];
	s0 =	simm.s32 @p0 $0x1  }
0x13: {  	[smem:$0x3FB8] =	sst s0;
	s0 =	simm.s32 @!p1 $0x0  }
0x14: {  	s2 =	sld [smem:$0x3F9C];
	s0 =	simm.s32 @p1 $0x1  }
0x15: {  	[smem:$0x3FB9] =	sst s0;
	s0 =	simm.s32 @!p2 $0x0  }
0x16: {  	s3 =	sld [smem:$0x3FDB];
	s0 =	simm.s32 @p2 $0x1  }
0x17: {  	s4 =	simm.s32 $0x1BF5;
	[smem:$0x3FBB] =	sst s0  }
0x18: {  	s0 =	sld [smem:$0x3F9E];
	_ =	swait.ge [sflag:s4], $0x0  }
0x19: {  	s7 =	sld [smem:$0x3F9F]  }
0x1a: {  	s8 =	sadd.s32 $0xFFFFE003, lr  }
0x1b: {  	s9 =	sadd.s32 $0xFFFFFEF7, lr;
	s5 =	simm.s32 $0xFFFFFFFF;
	p2 =	slt.u32 s8, $0xFFFFF086  }
0x1c: {  	p1 =	slt.u32 s9, $0xF7A;
	s5 =	simm.s32 @!p2 $0x0  }
0x1d: {  	s5 =	simm.s32 @p1 $0x1;
	p0 =	seq.s32 s7, s2  }
0x1e: {  	s7 =	smul.u32 @!p0 $0xF7A, s2;
	p2 =	seq.s32 @!p0 s5, $0x0  }
0x1f: {  	s9 =	smul.u32 $0xF7A, s1;
	s8 =	simm.s32 @!p0 $0x1BF5;
	p2 =	por !p2, p0  }
0x20: {  	[sflag:s8] =	ssyncset.s32 @!p0 $0xFFFFF086;
	s6 =	sadd.s32 @!p0 s3, s7;
	s7 =	simm.s32 @!p0 $0x108  }
0x21: {  	s3 =	sadd.s32 s3, s9;
	s6 =	sadd.s32 @!p0 $0x88, s6;
	s7 =	simm.s32 @p2 $0x1082  }
0x22: {  	[simem:s7], [sflag:s8] =	dma.local @!p0 [hbm:s6], $0xF7A  }
0x23: {  	s9 =	sor.u32 $0xD0000000, s2;
	s6 =	simm.s32 $0x108;
	_ =	swait.ge @!p0 [sflag:s8], $0x0  }
0x24: {  	s3 =	sadd.s32 $0x88, s3;
	s6 =	simm.s32 @!p1 $0x1082;
	[sflag:s4] =	ssyncset.s32 $0xFFFFF086  }
0x25: {  	[simem:s6], [sflag:s4] =	dma.local [hbm:s3], $0xF7A  }
0x26: {  	[smem:$0x3F9F] =	sst s1;
	(tag) =	ssettag s2;
	_ =	strace s9  }
0x27: {  	s1 =	sld [smem:$0x3FAF]  }
0x28: {  	s2 =	sld [smem:$0x3FB0]  }
0x29: {  	s4 =	sld [smem:$0x3FB2]  }
0x2a: {  	p0 =	seq.s32 s5, $0x0;
	s5 =	sld [smem:$0x3FB3]  }
0x2b: {  	s6 =	sld [smem:$0x3FB4]  }
0x2c: {  	s7 =	sld [smem:$0x3FB5]  }
0x2d: {  	s3 =	simm.s32 $0x108;
	s8 =	sld [smem:$0x3FB6]  }
0x2e: {  	s3 =	simm.s32 @!p0 $0x1082;
	s9 =	sld [smem:$0x3FB7]  }
0x2f: {  	lr =	sadd.s32 s0, s3;
	s0 =	sld [smem:$0x3FAE]  }
0x30: {  	s3 =	sld [smem:$0x3FB1]  }
0x31: {  	[smem:$0x3FBA] =	sst s10  }
0x32: {  	s10 =	sld [smem:$0x3FB8];
	_ =	sdelay $0x3  }
0x33: {  	p0 =	seq.s32 s10, $0x1;
	s10 =	sld [smem:$0x3FBA];
	_ =	sdelay $0x3  }
0x34: {  	[smem:$0x3FBA] =	sst s10  }
0x35: {  	s10 =	sld [smem:$0x3FB9];
	_ =	sdelay $0x3  }
0x36: {  	p1 =	seq.s32 s10, $0x1;
	s10 =	sld [smem:$0x3FBA];
	_ =	sdelay $0x3  }
0x37: {  	[smem:$0x3FBA] =	sst s10  }
0x38: {  	s10 =	sld [smem:$0x3FBB]  }
0x39: {  	_ = 	snop;
	(pc) =	sbr.ind lr, $3  }
0x3a: {  	_ = 	snop  }
0x3b: {  	_ = 	snop  }
0x3c: {  	p2 =	seq.s32 s10, $0x1;
	s10 =	sld [smem:$0x3FBA]  }
0x3d: {  	_ =	shalt  }
0x3e: {  	_ =	shalt  }
0x3f: {  	_ =	shalt  }
0x40: {  	_ =	shalt  }
0x41: {  	_ =	shalt  }
0x42: {  	_ =	shalt  }
0x43: {  	_ =	shalt  }
0x44: {  	_ =	shalt  }
0x45: {  	_ =	shalt  }
0x46: {  	_ =	shalt  }
0x47: {  	_ =	shalt  }
0x48: {  	_ =	shalt  }
0x49: {  	_ =	shalt  }
0x4a: {  	_ =	shalt  }
0x4b: {  	_ =	shalt  }
0x4c: {  	_ =	shalt  }
0x4d: {  	_ =	shalt  }
0x4e: {  	_ =	shalt  }
0x4f: {  	_ =	shalt  }
0x50: {  	_ =	shalt  }
0x51: {  	_ =	shalt  }
0x52: {  	_ =	shalt  }
0x53: {  	_ =	shalt  }
0x54: {  	_ =	shalt  }
0x55: {  	_ =	shalt  }
0x56: {  	_ =	shalt  }
0x57: {  	_ =	shalt  }
0x58: {  	_ =	shalt  }
0x59: {  	_ =	shalt  }
0x5a: {  	_ =	shalt  }
0x5b: {  	_ =	shalt  }
0x5c: {  	_ =	shalt  }
0x5d: {  	_ =	shalt  }
0x5e: {  	_ =	shalt  }
0x5f: {  	_ =	shalt  }
0x60: {  	_ =	shalt  }
0x61: {  	_ =	shalt  }
0x62: {  	_ =	shalt  }
0x63: {  	_ =	shalt  }
0x64: {  	_ =	shalt  }
0x65: {  	_ =	shalt  }
0x66: {  	_ =	shalt  }
0x67: {  	_ =	shalt  }
0x68: {  	_ =	shalt  }
0x69: {  	_ =	shalt  }
0x6a: {  	_ =	shalt  }
0x6b: {  	_ =	shalt  }
0x6c: {  	_ =	shalt  }
0x6d: {  	_ =	shalt  }
0x6e: {  	_ =	shalt  }
0x6f: {  	_ =	shalt  }
0x70: {  	_ =	shalt  }
0x71: {  	_ =	shalt  }
0x72: {  	_ =	shalt  }
0x73: {  	_ =	shalt  }
0x74: {  	_ =	shalt  }
0x75: {  	_ =	shalt  }
0x76: {  	_ =	shalt  }
0x77: {  	_ =	shalt  }
0x78: {  	_ =	shalt  }
0x79: {  	_ =	shalt  }
0x7a: {  	_ =	shalt  }
0x7b: {  	_ =	shalt  }
0x7c: {  	_ =	shalt  }
0x7d: {  	_ =	shalt  }
0x7e: {  	_ =	shalt  }
0x7f: {  	_ =	shalt  }
0x80: {  	_ =	shalt  }
0x81: {  	_ =	shalt  }
0x82: {  	_ =	shalt  }
0x83: {  	_ =	shalt  }
0x84: {  	_ =	shalt  }
0x85: {  	_ =	shalt  }
0x86: {  	_ =	shalt  }
0x87: {  	_ =	shalt  }
.Lfunc_end0:
.L_simem_size_0:
called_computation.1_lowered:
.L_overlay_start_0:
0x88: {  	s2 =	sld [smem:$0x3FD9]  }
0x89: {  	s3 =	sld [smem:$0x3FFE];
	_ =	sdelay $0x1  }
0x8a: {  	s1 =	srdreg.scid  }
0x8b: {  	s0 =	sand.u32 $0x1, s1  }
0x8c: {  	s17 =	sshll.u32 s0, $0xA;
	s2 =	sadd.s32 s3, s2  }
0x8d: {  	s2 =	sadd.s32 s2, s17  }
0x8e: {  	[smem:$0x3FC6] =	sst s2  }
0x8f: {  	_ = 	snop  }
0x90: {  	s2 =	sld [smem:$0x3FD0];
	(tm) =	ssettm $0x1  }
0x91: {  	s18 =	sld [smem:$0x3FFB];
	_ =	sdelay $0x3  }
0x92: {  	_ =	strace s18  }
0x93: {  	s3 =	sld [smem:$0x3FFC];
	_ =	sdelay $0x3  }
0x94: {  	_ =	strace s3  }
0x95: {  	s3 =	sld [smem:$0x3FFD];
	_ =	sdelay $0x3  }
0x96: {  	_ =	strace s3  }
0x97: {  	_ =	strace $0x8FFFFFFF  }
0x98: {  	s19 =	sld [smem:$0x3FDB];
	_ =	sdelay $0x1  }
0x99: {  	s4 =	simm.s32 $_scs_section_size  }
0x9a: {  	s5 =	simm.s32 $_size__tile_overlayer_lowered;
	s6 =	simm.s32 $_tile_overlayer_lowered  }
0x9b: {  	s22 =	simm.s32 $0x1BFF;
	s21 =	sshll.u32 s6, $0x1;
	s3 =	sadd.s32 s4, s19  }
0x9c: {  	s7 =	simm.s32 $0x0;
	s20 =	sshll.u32 s5, $0x1;
	s5 =	sadd.s32 s21, s3  }
0x9d: {  	[timem:s7], [sflag:s22] =	dma.local [hbm:s5], s20  }
0x9e: {  	_ =	swait.ge [sflag:s22], s20  }
0x9f: {  	s4 =	ssub.s32 $0x0, s20;
	[sflag:s22] =	ssyncset.done $0x0  }
0xa0: {  	[sflag:s22] =	ssyncadd.s32 s4;
	_ =	sdelay $0x1  }
0xa1: {  	s23 =	simm.s32 $0x1B8B  }
0xa2: {  	_ =	swait.ge [sflag:s23], $0x1  }
0xa3: {  	[sflag:s23] =	ssyncset.done $0x0  }
0xa4: {  	s25 =	simm.s32 $0x1B8E;
	s24 =	sld [smem:$0x3FFE];
	[sflag:s23] =	ssyncadd.s32 $0xFFFFFFFF  }
0xa5: {  	s26 =	simm.s32 $execute0_lowered;
	[smem:$0x3FD2] =	sst s25  }
0xa6: {  	s5 =	sshll.u32 s26, $0x1;
	_ =	strace $0x80000046;
	[dreg:$0x1] =	wrdreg $0xFFFFFFFF  }
0xa7: {  	s28 =	simm.s32 $_size_execute0_lowered;
	s3 =	sadd.s32 s3, s5;
	[dreg:$0x0] =	wrdreg $0x0  }
0xa8: {  	s5 =	sshll.u32 s28, $0x1;
	[dreg:$0x2] =	wrdreg s3  }
0xa9: {  	[dreg:$0x3] =	wrdreg s5  }
0xaa: {  	[dreg:$0x4] =	wrdreg $0xC0  }
0xab: {  	_ =	task [dreg:s7], $0x5FFFF  }
0xac: {  	[dreg:$0x1] =	wrdreg $0xFFFFFFFF  }
0xad: {  	[dreg:$0x0] =	wrdreg $0x60  }
0xae: {  	[dreg:$0x2] =	wrdreg s2  }
0xaf: {  	[dreg:$0x3] =	wrdreg s24  }
0xb0: {  	[dreg:$0x4] =	wrdreg $0x9  }
0xb1: {  	_ =	task.clear_ibuf [dreg:s7], $0x5FFFF;
	_ =	strace $0x90000046  }
0xb2: {  	s29 =	simm.s32 $0x9;
	_ =	strace $0x80000048  }
0xb3: {  	_ =	swait.ge [sflag:s29], $0x1  }
0xb4: {  	[sflag:s29] =	ssyncadd.s32 $0xFFFFFFFF  }
0xb5: {  	_ =	strace $0x90000048  }
0xb6: {  	_ =	sfence  }
0xb7: {  	s30 =	sld [smem:$0x0];
	_ =	sdelay $0x2  }
0xb8: {  	s31 =	sshll.u32 s1, $0xD;
	s1 =	sshrl.u32 s1, $0x2  }
0xb9: {  	s3 =	sand.u32 $0x4000, s31;
	s1 =	sadd.s32 s1, s30  }
0xba: {  	s0 =	sor.u32 s3, s0;
	s1 =	sshll.u32 s1, $0x11  }
0xbb: {  	s0 =	sor.u32 s1, s0  }
0xbc: {  	s0 =	sadd.s32 $0x8F2B, s0  }
0xbd: {  	[sflag:s0] =	ssyncadd.remote.s32 $0x1  }
0xbe: {  	_ =	sfence.sel $0xFFFF  }
0xbf: {  	[dreg:$0x0] =	wrdreg $0xFFFFFFFF;
	(pc) =	sbr.abs _section_cstart, $3  }
0xc0: {  	[dreg:$0x1] =	wrdreg $0xFFFFFFFF  }
0xc1: {  	_ =	task.clear_ibuf [dreg:s7], $0x2FFFF;
	_ =	strace $0x9FFFFFFF  }
0xc2: {  	(tm) =	ssettm $0x7FFFFFFF  }
0xc3: {  	_ =	shalt  }
tec
execute0_lowered:
.L_overlay_start_1:
0x0: {  	(tag) =	ssettag $0x1  }
0x1: {  	s0 =	rddreg [dreg:$0x0];
	s1 =	srdreg.scid  }
0x2: {  	s4 =	stileid.u32;
	s2 =	rddreg [dreg:$0x1];
	s3 =	simm.s32 $0x0  }
0x3: {  	s28 =	simm.s32 $0x3;
	s29 =	simm.s32 $0x7;
	s30 =	simm.s32 $0x400  }
0x4: {  	s31 =	simm.s32 $0x6;
	s1 =	sand.u32 $0x1, s1;
	s5 =	sshll.u32 s4, $0x1  }
0x5: {  	s4 =	sshll.u32 s4, $0x6;
	[smem:$0x7FF] =	sst s3;
	s9 =	sor.u32 s1, s5  }
0x6: {  	s4 =	sand.u32 $0x200, s4;
	_ =	strace $0x80000047;
	s1 =	ssub.s32 $0x2, s1  }
0x7: {  	s23 =	sor.u32 $0xA0, s5;
	s24 =	sor.u32 $0xC0, s5;
	[dreg:$0x3] =	wrdreg s9  }
0x8: {  	s25 =	sor.u32 $0xE0, s5;
	s5 =	simm.s32 $0x0;
	[dreg:$0x9] =	wrdreg s23  }
0x9: {  	s6 =	sshll.u32 s9, $0x5;
	s8 =	sshrl.u32 s1, $0x1;
	[dreg:$0xa] =	wrdreg s24  }
0xa: {  	s21 =	sshll.u32 s9, $0xC;
	s22 =	sor.u32 $0x80, s9;
	[dreg:$0xb] =	wrdreg s25  }
0xb: {  	s23 =	simm.s32 $0x2;
	s24 =	simm.s32 $0x8400;
	s25 =	simm.s32 $0x300  }
0xc: {  	s7 =	sand.u32 $0x1E0, s6;
	s1 =	ssub.s32 s1, s8;
	[dreg:$0x8] =	wrdreg s22  }
0xd: {  	s22 =	simm.s32 $0x200;
	s6 =	sor.u32 s4, s7;
	s4 =	sadd.s32 $0xF42E00, s2  }
0xe: {  	s15 =	sadd.s32 s0, s7;
	s26 =	smax.u32 s1, $0x1;
	s1 =	simm.s32 $0x4  }
0xf: {  	s10 =	sadd.s32 s0, s6;
	s6 =	sadd.s32 $0xA00, s2;
	[dreg:$0xc] =	wrdreg s26  }
0x10: {  	s26 =	simm.s32 $0x5;
	s18 =	sadd.s32 $0x400, s10;
	[dreg:$0x4] =	wrdreg s10  }
0x11: {  	s0 =	simm.s32 $0x8;
	s19 =	sadd.s32 $0x800, s10;
	[dreg:$0x5] =	wrdreg s18  }
0x12: {  	s20 =	sadd.s32 $0xC00, s10;
	s10 =	sadd.s32 s6, s21;
	[dreg:$0x6] =	wrdreg s19  }
0x13: {  	s21 =	simm.s32 $0x1;
	[dreg:$0x7] =	wrdreg s20;
	s16 =	sadd.s32 $0xC20000, s10  }
0x14: {  	s17 =	sadd.s32 $0xC40000, s10;
	s18 =	sadd.s32 $0xC60000, s10;
	s20 =	simm.s32 $0x100  }
.LBB2_1:
0x15: {  	[dreg:$0xd] =	wrdreg s5  }
0x16: {  	s2 =	rddreg [dreg:$0x4]  }
0x17: {  	[tilespmem:s3], [sflag:$0x1] =	stream.linear.gather [hbm4b:s2+s3], $0x100, $0x38;
	[tilespmem:$0x10400] =	vst v63  }
0x18: {  	s12 =	rddreg [dreg:$0x5]  }
0x19: {  	[tilespmem:s20], [sflag:$0x2] =	stream.linear.gather [hbm4b:s12+s3], $0x100, $0x38;
	[tilespmem:$0x10400] =	vst v63  }
0x1a: {  	_ =	swait.ge [sflag:s21], $0x100  }
0x1b: {  	[sflag:s21] =	ssyncset.done $0x0  }
0x1c: {  	[sflag:s21] =	ssyncadd.s32 $0xFFFFFF00  }
0x1d: {  	[tilespmem:s30], [sflag:$0x5] =	stream.indirect.gather [hbm4b:s4+s20], $0x80, s3, s20, $0xb8;
	[tilespmem:$0x10400] =	vst v63  }
0x1e: {  	s13 =	rddreg [dreg:$0x6]  }
0x1f: {  	[tilespmem:s22], [sflag:$0x3] =	stream.linear.gather [hbm4b:s13+s3], $0x100, $0x38;
	[tilespmem:$0x10400] =	vst v63  }
0x20: {  	_ =	swait.ge [sflag:s23], $0x100  }
0x21: {  	[sflag:s23] =	ssyncset.done $0x0  }
0x22: {  	[sflag:s23] =	ssyncadd.s32 $0xFFFFFF00  }
0x23: {  	[tilespmem:s24], [sflag:$0x6] =	stream.indirect.gather [hbm4b:s4+s20], $0x80, s20, s20, $0xb8;
	[tilespmem:$0x10400] =	vst v63  }
0x24: {  	s14 =	rddreg [dreg:$0x7]  }
0x25: {  	[tilespmem:s25], [sflag:$0x4] =	stream.linear.gather [hbm4b:s14+s3], $0x100, $0x38;
	[tilespmem:$0x10400] =	vst v63  }
0x26: {  	_ =	swait.ge [sflag:s26], $0x8000  }
0x27: {  	s19 =	sadd.s32 $0x0, s10;
	[sflag:s26] =	ssyncset.done $0x0  }
0x28: {  	s5 =	simm.s32 $0x400;
	s2 =	simm.s32 $0x10;
	[sflag:s26] =	ssyncadd.s32 $0xFFFF8000  }
0x29: {  	[hbm4b:s19+s3] =	stream.linear.scatter [tilespmem:s30], [sflag:$0x7], $0x40, $0x38;
	[tilespmem:$0x10400] =	vst v63  }
.LBB2_2:
0x2a: {  	p0 =	sne.s32 s2, $0xFF0  }
.Ltmp0:
0x2b: {  	_ = 	snop;
	(pc) =	sbr.rel @p0 .LBB2_2-.Ltmp0, $4  }
0x2c: {  	_ = 	snop  }
0x2d: {  	s7 =	sadd.s32 s2, s10;
	s5 =	sadd.s32 $0x80, s5  }
0x2e: {  	s8 =	simm.s32 $0x0;
	s2 =	sadd.s32 $0x10, s2  }
0x2f: {  	[hbm4b:s7+s8] =	stream.linear.scatter [tilespmem:s5], [sflag:$0x7], $0x40, $0x38;
	[tilespmem:$0x10400] =	vst v63  }
0x30: {  	s9 =	simm.s32 $0x0  }
.LBB2_4:
0x31: {  	_ =	swait.ge [sflag:s28], $0x100  }
0x32: {  	[sflag:s28] =	ssyncset.done $0x0  }
0x33: {  	[sflag:s28] =	ssyncadd.s32 $0xFFFFFF00  }
0x34: {  	_ =	swait.ge [sflag:s29], $0x4000  }
0x35: {  	s5 =	sshll.u32 s9, $0x7;
	[sflag:s29] =	ssyncset.done $0x0;
	s2 =	rddreg [dreg:$0x8]  }
0x36: {  	[sflag:s29] =	ssyncadd.s32 $0xFFFFC000;
	s19 =	sadd.s32 s2, s5  }
0x37: {  	[tilespmem:s30], [sflag:$0x5] =	stream.indirect.gather [hbm4b:s4+s20], $0x80, s22, s20, $0xb8;
	[tilespmem:$0x10400] =	vst v63  }
0x38: {  	s2 =	sshll.u32 s19, $0x5  }
0x39: {  	s2 =	sand.u32 $0x3F200, s2  }
0x3a: {  	s14 =	rddreg [dreg:$0x3];
	s2 =	sadd.s32 s2, s15  }
0x3b: {  	[tilespmem:s8], [sflag:$0x1] =	stream.linear.gather [hbm4b:s2+s8], $0x100, $0x38;
	[tilespmem:$0x10400] =	vst v63  }
0x3c: {  	s2 =	sor.u32 s14, s5  }
0x3d: {  	s2 =	sshll.u32 s2, $0xC  }
0x3e: {  	s11 =	simm.s32 $0x8400;
	_ =	swait.ge [sflag:s31], $0x8000;
	s7 =	sadd.s32 s2, s6  }
0x3f: {  	s12 =	simm.s32 $0x10;
	[sflag:s31] =	ssyncset.done $0x0;
	s2 =	sadd.s32 $0x20000, s7  }
0x40: {  	s13 =	simm.s32 $0x8480;
	[sflag:s31] =	ssyncadd.s32 $0xFFFF8000;
	s14 =	sadd.s32 $0x0, s2  }
.LBB2_5:
0x41: {  	[hbm4b:s14+s3] =	stream.linear.scatter [tilespmem:s11], [sflag:$0x8], $0x40, $0x38;
	[tilespmem:$0x10400] =	vst v63  }
0x42: {  	s14 =	smov.u32 s12;
	s11 =	smov.u32 s13;
	p0 =	sne.s32 s12, $0xFF0  }
.Ltmp1:
0x43: {  	s12 =	sadd.s32 $0x10, s12;
	(pc) =	sbr.rel @p0 .LBB2_5-.Ltmp1, $2  }
0x44: {  	_ =	sdelay $0x2  }
0x45: {  	s13 =	sadd.s32 $0x80, s13;
	s14 =	sadd.s32 s14, s2  }
0x46: {  	[hbm4b:s14+s3] =	stream.linear.scatter [tilespmem:s11], [sflag:$0x8], $0x40, $0x38;
	[tilespmem:$0x10400] =	vst v63  }
0x47: {  	_ =	swait.ge [sflag:s1], $0x100  }
0x48: {  	[sflag:s1] =	ssyncset.done $0x0  }
0x49: {  	[sflag:s1] =	ssyncadd.s32 $0xFFFFFF00  }
0x4a: {  	_ =	swait.ge [sflag:s0], $0x4000  }
0x4b: {  	[sflag:s0] =	ssyncset.done $0x0;
	s2 =	rddreg [dreg:$0x9]  }
0x4c: {  	[sflag:s0] =	ssyncadd.s32 $0xFFFFC000;
	s2 =	sadd.s32 s2, s5  }
0x4d: {  	[tilespmem:s24], [sflag:$0x6] =	stream.indirect.gather [hbm4b:s4+s20], $0x80, s25, s20, $0xb8;
	[tilespmem:$0x10400] =	vst v63  }
0x4e: {  	s2 =	sshll.u32 s2, $0x5  }
0x4f: {  	s2 =	sand.u32 $0x3F600, s2  }
0x50: {  	s14 =	simm.s32 $0x0;
	s2 =	sadd.s32 s2, s15  }
0x51: {  	[tilespmem:s20], [sflag:$0x2] =	stream.linear.gather [hbm4b:s2+s14], $0x100, $0x38;
	[tilespmem:$0x10400] =	vst v63  }
0x52: {  	s11 =	simm.s32 $0x400;
	_ =	swait.ge [sflag:s26], $0x8000  }
0x53: {  	s12 =	simm.s32 $0x10;
	s2 =	sadd.s32 $0x40000, s7;
	[sflag:s26] =	ssyncset.done $0x0  }
0x54: {  	s13 =	simm.s32 $0x480;
	s14 =	sadd.s32 $0x0, s2;
	[sflag:s26] =	ssyncadd.s32 $0xFFFF8000  }
.LBB2_7:
0x55: {  	[hbm4b:s14+s3] =	stream.linear.scatter [tilespmem:s11], [sflag:$0x7], $0x40, $0x38;
	[tilespmem:$0x10400] =	vst v63  }
0x56: {  	s14 =	smov.u32 s12;
	s11 =	smov.u32 s13;
	p0 =	sne.s32 s12, $0xFF0  }
.Ltmp2:
0x57: {  	s12 =	sadd.s32 $0x10, s12;
	(pc) =	sbr.rel @p0 .LBB2_7-.Ltmp2, $2  }
0x58: {  	_ =	sdelay $0x2  }
0x59: {  	s13 =	sadd.s32 $0x80, s13;
	s14 =	sadd.s32 s14, s2  }
0x5a: {  	[hbm4b:s14+s3] =	stream.linear.scatter [tilespmem:s11], [sflag:$0x7], $0x40, $0x38;
	[tilespmem:$0x10400] =	vst v63  }
0x5b: {  	_ =	swait.ge [sflag:s21], $0x100  }
0x5c: {  	[sflag:s21] =	ssyncset.done $0x0  }
0x5d: {  	[sflag:s21] =	ssyncadd.s32 $0xFFFFFF00  }
0x5e: {  	_ =	swait.ge [sflag:s29], $0x4000  }
0x5f: {  	[sflag:s29] =	ssyncset.done $0x0;
	s14 =	rddreg [dreg:$0xa]  }
0x60: {  	s2 =	simm.s32 $0x0;
	[sflag:s29] =	ssyncadd.s32 $0xFFFFC000;
	s11 =	sadd.s32 s14, s5  }
0x61: {  	[tilespmem:s30], [sflag:$0x5] =	stream.indirect.gather [hbm4b:s4+s20], $0x80, s2, s20, $0xb8;
	[tilespmem:$0x10400] =	vst v63  }
0x62: {  	s11 =	sshll.u32 s11, $0x5  }
0x63: {  	s11 =	sand.u32 $0x3FA00, s11  }
0x64: {  	s11 =	sadd.s32 s11, s15  }
0x65: {  	[tilespmem:s22], [sflag:$0x3] =	stream.linear.gather [hbm4b:s11+s2], $0x100, $0x38;
	[tilespmem:$0x10400] =	vst v63  }
0x66: {  	s12 =	simm.s32 $0x8480;
	_ =	swait.ge [sflag:s31], $0x8000  }
0x67: {  	s2 =	sadd.s32 $0x60000, s7;
	s7 =	simm.s32 $0x8400;
	[sflag:s31] =	ssyncset.done $0x0  }
0x68: {  	s11 =	simm.s32 $0x10;
	s13 =	sadd.s32 $0x0, s2;
	[sflag:s31] =	ssyncadd.s32 $0xFFFF8000  }
.LBB2_9:
0x69: {  	[hbm4b:s13+s3] =	stream.linear.scatter [tilespmem:s7], [sflag:$0x8], $0x40, $0x38;
	[tilespmem:$0x10400] =	vst v63  }
0x6a: {  	s13 =	smov.u32 s11;
	s7 =	smov.u32 s12;
	p0 =	sne.s32 s11, $0xFF0  }
.Ltmp3:
0x6b: {  	s11 =	sadd.s32 $0x10, s11;
	(pc) =	sbr.rel @p0 .LBB2_9-.Ltmp3, $2  }
0x6c: {  	_ =	sdelay $0x2  }
0x6d: {  	s12 =	sadd.s32 $0x80, s12;
	s13 =	sadd.s32 s13, s2  }
0x6e: {  	[hbm4b:s13+s3] =	stream.linear.scatter [tilespmem:s7], [sflag:$0x8], $0x40, $0x38;
	[tilespmem:$0x10400] =	vst v63  }
0x6f: {  	_ =	swait.ge [sflag:s23], $0x100  }
0x70: {  	[sflag:s23] =	ssyncset.done $0x0  }
0x71: {  	[sflag:s23] =	ssyncadd.s32 $0xFFFFFF00  }
0x72: {  	_ =	swait.ge [sflag:s0], $0x4000  }
0x73: {  	[sflag:s0] =	ssyncset.done $0x0;
	s2 =	rddreg [dreg:$0xb]  }
0x74: {  	[sflag:s0] =	ssyncadd.s32 $0xFFFFC000;
	s2 =	sadd.s32 s2, s5  }
0x75: {  	[tilespmem:s24], [sflag:$0x6] =	stream.indirect.gather [hbm4b:s4+s20], $0x80, s20, s20, $0xb8;
	[tilespmem:$0x10400] =	vst v63  }
0x76: {  	s2 =	sshll.u32 s2, $0x5  }
0x77: {  	s2 =	sand.u32 $0x3FE00, s2  }
0x78: {  	s14 =	simm.s32 $0x0;
	s2 =	sadd.s32 s2, s15  }
0x79: {  	[tilespmem:s25], [sflag:$0x4] =	stream.linear.gather [hbm4b:s2+s14], $0x100, $0x38;
	[tilespmem:$0x10400] =	vst v63  }
0x7a: {  	s19 =	sshll.u32 s19, $0xC;
	s7 =	simm.s32 $0x10;
	_ =	swait.ge [sflag:s26], $0x8000  }
0x7b: {  	s11 =	simm.s32 $0x480;
	s2 =	sadd.s32 s6, s19;
	[sflag:s26] =	ssyncset.done $0x0  }
0x7c: {  	s5 =	simm.s32 $0x400;
	s12 =	sadd.s32 $0x0, s2;
	[sflag:s26] =	ssyncadd.s32 $0xFFFF8000  }
.LBB2_11:
0x7d: {  	[hbm4b:s12+s3] =	stream.linear.scatter [tilespmem:s5], [sflag:$0x7], $0x40, $0x38;
	[tilespmem:$0x10400] =	vst v63  }
0x7e: {  	s12 =	smov.u32 s7;
	s5 =	smov.u32 s11;
	p0 =	sne.s32 s7, $0xFF0  }
.Ltmp4:
0x7f: {  	s7 =	sadd.s32 $0x10, s7;
	(pc) =	sbr.rel @p0 .LBB2_11-.Ltmp4, $2  }
0x80: {  	_ =	sdelay $0x2  }
0x81: {  	s11 =	sadd.s32 $0x80, s11;
	s12 =	sadd.s32 s12, s2  }
0x82: {  	s9 =	sadd.s32 $0x1, s9  }
0x83: {  	p0 =	sne.s32 s9, $0x18  }
.Ltmp5:
0x84: {  	_ = 	snop;
	(pc) =	sbr.rel @p0 .LBB2_4-.Ltmp5, $2  }
0x85: {  	_ =	sdelay $0x2  }
0x86: {  	[hbm4b:s12+s3] =	stream.linear.scatter [tilespmem:s5], [sflag:$0x7], $0x40, $0x38;
	[tilespmem:$0x10400] =	vst v63  }
0x87: {  	_ =	swait.ge [sflag:s28], $0x100  }
0x88: {  	[sflag:s28] =	ssyncset.done $0x0  }
0x89: {  	[sflag:s28] =	ssyncadd.s32 $0xFFFFFF00  }
0x8a: {  	_ =	swait.ge [sflag:s29], $0x4000  }
0x8b: {  	[sflag:s29] =	ssyncset.done $0x0  }
0x8c: {  	[sflag:s29] =	ssyncadd.s32 $0xFFFFC000  }
0x8d: {  	[tilespmem:s30], [sflag:$0x5] =	stream.indirect.gather [hbm4b:s4+s20], $0x80, s22, s20, $0xb8;
	[tilespmem:$0x10400] =	vst v63  }
0x8e: {  	_ =	swait.ge [sflag:s31], $0x8000  }
0x8f: {  	s2 =	simm.s32 $0x8400;
	s5 =	simm.s32 $0x10;
	[sflag:s31] =	ssyncset.done $0x0  }
0x90: {  	s8 =	sadd.s32 $0x0, s16;
	s7 =	simm.s32 $0x8480;
	[sflag:s31] =	ssyncadd.s32 $0xFFFF8000  }
.LBB2_14:
0x91: {  	[hbm4b:s8+s3] =	stream.linear.scatter [tilespmem:s2], [sflag:$0x8], $0x40, $0x38;
	[tilespmem:$0x10400] =	vst v63  }
0x92: {  	s8 =	smov.u32 s5;
	s2 =	smov.u32 s7;
	p0 =	sne.s32 s5, $0xFF0  }
.Ltmp6:
0x93: {  	s5 =	sadd.s32 $0x10, s5;
	(pc) =	sbr.rel @p0 .LBB2_14-.Ltmp6, $2  }
0x94: {  	_ =	sdelay $0x2  }
0x95: {  	s7 =	sadd.s32 $0x80, s7;
	s8 =	sadd.s32 s8, s16  }
0x96: {  	[hbm4b:s8+s3] =	stream.linear.scatter [tilespmem:s2], [sflag:$0x8], $0x40, $0x38;
	[tilespmem:$0x10400] =	vst v63  }
0x97: {  	_ =	swait.ge [sflag:s1], $0x100  }
0x98: {  	[sflag:s1] =	ssyncset.done $0x0  }
0x99: {  	[sflag:s1] =	ssyncadd.s32 $0xFFFFFF00  }
0x9a: {  	_ =	swait.ge [sflag:s0], $0x4000  }
0x9b: {  	[sflag:s0] =	ssyncset.done $0x0  }
0x9c: {  	[sflag:s0] =	ssyncadd.s32 $0xFFFFC000  }
0x9d: {  	[tilespmem:s24], [sflag:$0x6] =	stream.indirect.gather [hbm4b:s4+s20], $0x80, s25, s20, $0xb8;
	[tilespmem:$0x10400] =	vst v63  }
0x9e: {  	_ =	swait.ge [sflag:s26], $0x8000  }
0x9f: {  	s2 =	simm.s32 $0x400;
	s5 =	simm.s32 $0x10;
	[sflag:s26] =	ssyncset.done $0x0  }
0xa0: {  	s8 =	sadd.s32 $0x0, s17;
	s7 =	simm.s32 $0x480;
	[sflag:s26] =	ssyncadd.s32 $0xFFFF8000  }
.LBB2_16:
0xa1: {  	[hbm4b:s8+s3] =	stream.linear.scatter [tilespmem:s2], [sflag:$0x7], $0x40, $0x38;
	[tilespmem:$0x10400] =	vst v63  }
0xa2: {  	s8 =	smov.u32 s5;
	s2 =	smov.u32 s7;
	p0 =	sne.s32 s5, $0xFF0  }
.Ltmp7:
0xa3: {  	s5 =	sadd.s32 $0x10, s5;
	(pc) =	sbr.rel @p0 .LBB2_16-.Ltmp7, $2  }
0xa4: {  	_ =	sdelay $0x2  }
0xa5: {  	s7 =	sadd.s32 $0x80, s7;
	s8 =	sadd.s32 s8, s17  }
0xa6: {  	[hbm4b:s8+s3] =	stream.linear.scatter [tilespmem:s2], [sflag:$0x7], $0x40, $0x38;
	[tilespmem:$0x10400] =	vst v63  }
0xa7: {  	_ =	swait.ge [sflag:s31], $0x8000  }
0xa8: {  	s2 =	simm.s32 $0x8400;
	s5 =	simm.s32 $0x10;
	[sflag:s31] =	ssyncset.done $0x0  }
0xa9: {  	s8 =	sadd.s32 $0x0, s18;
	s7 =	simm.s32 $0x8480;
	[sflag:s31] =	ssyncadd.s32 $0xFFFF8000  }
.LBB2_18:
0xaa: {  	[hbm4b:s8+s3] =	stream.linear.scatter [tilespmem:s2], [sflag:$0x8], $0x40, $0x38;
	[tilespmem:$0x10400] =	vst v63  }
0xab: {  	s8 =	smov.u32 s5;
	s2 =	smov.u32 s7;
	p0 =	sne.s32 s5, $0xFF0  }
.Ltmp8:
0xac: {  	s5 =	sadd.s32 $0x10, s5;
	(pc) =	sbr.rel @p0 .LBB2_18-.Ltmp8, $2  }
0xad: {  	_ =	sdelay $0x2  }
0xae: {  	s7 =	sadd.s32 $0x80, s7;
	s8 =	sadd.s32 s8, s18  }
0xaf: {  	[hbm4b:s8+s3] =	stream.linear.scatter [tilespmem:s2], [sflag:$0x8], $0x40, $0x38;
	[tilespmem:$0x10400] =	vst v63  }
0xb0: {  	_ =	swait.ge [sflag:s29], $0x4000  }
0xb1: {  	[sflag:s29] =	ssyncset.done $0x0  }
0xb2: {  	[sflag:s29] =	ssyncadd.s32 $0xFFFFC000  }
0xb3: {  	_ =	swait.ge [sflag:s0], $0x4000  }
0xb4: {  	s5 =	rddreg [dreg:$0xd]  }
0xb5: {  	s19 =	rddreg [dreg:$0xc];
	s5 =	sadd.s32 $0x1, s5  }
0xb6: {  	p0 =	sne.s32 s5, s19  }
.Ltmp9:
0xb7: {  	_ = 	snop;
	(pc) =	sbr.rel @p0 .LBB2_1-.Ltmp9, $3  }
0xb8: {  	_ =	sdelay $0x1  }
0xb9: {  	[sflag:s0] =	ssyncset.done $0x0  }
0xba: {  	[sflag:s0] =	ssyncadd.s32 $0xFFFFC000  }
0xbb: {  	_ =	sfence.sel $0x180000  }
0xbc: {  	[bflag:$0x0] =	sbarrier.arrive $0xFFFF  }
0xbd: {  	_ =	strace $0x90000047  }
0xbe: {  	s0 =	stileid.u32;
	[bflag:$0x2] =	sbarrier.arrive $0xFFFF  }
0xbf: {  	p0 =	sne.s32 s0, $0x0;
	s0 =	rddreg [dreg:$0x2]  }
0xc0: {  	s0 =	sadd.s32 @!p0 $0x100000, s0  }
0xc1: {  	[sflag:s0] =	ssyncadd.tile.s32 @!p0 $0x1;
	_ =	shalt  }
.Lfunc_end2:
_tile_overlayer_lowered:
.L_overlay_start_2:
0xc2: {  	(tag) =	ssettag $0x2  }
0xc3: {  	s0 =	rddreg [dreg:$0x0];
	s2 =	stileid.u32  }
0xc4: {  	s1 =	rddreg [dreg:$0x1];
	p0 =	sne.s32 s2, $0x0  }
0xc5: {  	s3 =	rddreg [dreg:$0x2];
	[bflag:$0x3] =	sbarrier.arrive $0xFFFF;
	s2 =	simm.s32 @!p0 $0x1C09  }
0xc6: {  	[timem:s3], [sflag:s2] =	dma.local @!p0 [hbm:s0], s1  }
0xc7: {  	s0 =	simm.s32 @!p0 $0x9  }
0xc8: {  	_ =	swait.ge @!p0 [sflag:s0], s1  }
0xc9: {  	s1 =	ssub.s32 @!p0 $0x0, s1;
	[sflag:s0] =	ssyncset.done @!p0 $0x0  }
0xca: {  	[sflag:s0] =	ssyncadd.s32 @!p0 s1  }
0xcb: {  	[bflag:$0x3] =	sbarrier.arrive $0xFFFF  }
0xcc: {  	_ =	shalt  }

// kernel: sparse-core-data-format-call.cloned.1.call-start
scs
called_computation_lowered:
.L_overlay_start_0:
0x0: {  	s2 =	sld [smem:$0x3FD9]  }
0x1: {  	s3 =	sld [smem:$0x3FFE];
	_ =	sdelay $0x1  }
0x2: {  	s1 =	srdreg.scid  }
0x3: {  	s0 =	sand.u32 $0x1, s1  }
0x4: {  	s18 =	sshll.u32 s0, $0xA;
	s2 =	sadd.s32 s3, s2  }
0x5: {  	s2 =	sadd.s32 s2, s18  }
0x6: {  	[smem:$0x3FC6] =	sst s2  }
0x7: {  	_ = 	snop  }
0x8: {  	s2 =	sld [smem:$0x3FD0];
	(tm) =	ssettm $0x1  }
0x9: {  	s19 =	sld [smem:$0x3FFB];
	_ =	sdelay $0x3  }
0xa: {  	_ =	strace s19  }
0xb: {  	s3 =	sld [smem:$0x3FFC];
	_ =	sdelay $0x3  }
0xc: {  	_ =	strace s3  }
0xd: {  	s3 =	sld [smem:$0x3FFD];
	_ =	sdelay $0x3  }
0xe: {  	_ =	strace s3  }
0xf: {  	_ =	strace $0x8FFFFFFF  }
0x10: {  	s20 =	sld [smem:$0x3FDB];
	_ =	sdelay $0x1  }
0x11: {  	s4 =	simm.s32 $_scs_section_size  }
0x12: {  	s5 =	simm.s32 $_size__tile_overlayer_lowered;
	s6 =	simm.s32 $_tile_overlayer_lowered  }
0x13: {  	s23 =	simm.s32 $0x1BFF;
	s22 =	sshll.u32 s6, $0x1;
	s3 =	sadd.s32 s4, s20  }
0x14: {  	s7 =	simm.s32 $0x0;
	s21 =	sshll.u32 s5, $0x1;
	s5 =	sadd.s32 s22, s3  }
0x15: {  	[timem:s7], [sflag:s23] =	dma.local [hbm:s5], s21  }
0x16: {  	_ =	swait.ge [sflag:s23], s21  }
0x17: {  	s4 =	ssub.s32 $0x0, s21;
	[sflag:s23] =	ssyncset.done $0x0  }
0x18: {  	[sflag:s23] =	ssyncadd.s32 s4;
	_ =	sdelay $0x1  }
0x19: {  	s24 =	simm.s32 $0x1B8B  }
0x1a: {  	_ =	swait.ge [sflag:s24], $0x1  }
0x1b: {  	[sflag:s24] =	ssyncset.done $0x0  }
0x1c: {  	s26 =	simm.s32 $0x1B8E;
	s25 =	sld [smem:$0x3FFE];
	[sflag:s24] =	ssyncadd.s32 $0xFFFFFFFF  }
0x1d: {  	s27 =	simm.s32 $execute0_lowered;
	[smem:$0x3FD2] =	sst s26  }
0x1e: {  	s5 =	sshll.u32 s27, $0x1;
	_ =	strace $0x80000049;
	[dreg:$0x1] =	wrdreg $0xFFFFFFFF  }
0x1f: {  	s28 =	simm.s32 $_size_execute0_lowered;
	s3 =	sadd.s32 s3, s5;
	[dreg:$0x0] =	wrdreg $0x0  }
0x20: {  	s5 =	sshll.u32 s28, $0x1;
	[dreg:$0x2] =	wrdreg s3  }
0x21: {  	[dreg:$0x3] =	wrdreg s5  }
0x22: {  	[dreg:$0x4] =	wrdreg $0xC0  }
0x23: {  	_ =	task [dreg:s7], $0x5FFFF  }
0x24: {  	[dreg:$0x1] =	wrdreg $0xFFFFFFFF  }
0x25: {  	[dreg:$0x0] =	wrdreg $0x60  }
0x26: {  	[dreg:$0x2] =	wrdreg s25  }
0x27: {  	[dreg:$0x3] =	wrdreg s2  }
0x28: {  	[dreg:$0x4] =	wrdreg $0x9  }
0x29: {  	_ =	task.clear_ibuf [dreg:s7], $0x5FFFF;
	_ =	strace $0x90000049  }
0x2a: {  	s29 =	simm.s32 $0x9;
	_ =	strace $0x8000004B  }
0x2b: {  	_ =	swait.ge [sflag:s29], $0x1  }
0x2c: {  	[sflag:s29] =	ssyncadd.s32 $0xFFFFFFFF  }
0x2d: {  	_ =	strace $0x9000004B  }
0x2e: {  	_ =	sfence  }
0x2f: {  	s30 =	sld [smem:$0x0];
	_ =	sdelay $0x2  }
0x30: {  	s31 =	sshll.u32 s1, $0xD;
	s1 =	sshrl.u32 s1, $0x2  }
0x31: {  	s3 =	sand.u32 $0x4000, s31;
	s1 =	sadd.s32 s1, s30  }
0x32: {  	s0 =	sor.u32 s3, s0;
	s1 =	sshll.u32 s1, $0x11  }
0x33: {  	s0 =	sor.u32 s1, s0  }
0x34: {  	s0 =	sadd.s32 $0x8F2B, s0  }
0x35: {  	[sflag:s0] =	ssyncadd.remote.s32 $0x1  }
0x36: {  	_ =	sfence.sel $0xFFFF  }
0x37: {  	[dreg:$0x0] =	wrdreg $0xFFFFFFFF;
	(pc) =	sbr.abs _section_cstart, $3  }
0x38: {  	[dreg:$0x1] =	wrdreg $0xFFFFFFFF  }
0x39: {  	_ =	task.clear_ibuf [dreg:s7], $0x2FFFF;
	_ =	strace $0x9FFFFFFF  }
0x3a: {  	(tm) =	ssettm $0x7FFFFFFF  }
0x3b: {  	_ =	shalt  }
tec
execute0_lowered:
.L_overlay_start_1:
0x0: {  	(tag) =	ssettag $0x1  }
0x1: {  	s0 =	srdreg.scid  }
0x2: {  	s1 =	sshll.u32 s0, $0x4  }
0x3: {  	s5 =	rddreg [dreg:$0x0];
	s0 =	stileid.u32;
	s1 =	sand.u32 $0x10, s1  }
0x4: {  	s3 =	rddreg [dreg:$0x1];
	s31 =	simm.s32 $0x2;
	s4 =	sor.u32 s0, s1  }
0x5: {  	s13 =	simm.s32 $0x0;
	s9 =	simm.s32 $0x400;
	s2 =	sshll.u32 s4, $0x7  }
0x6: {  	s10 =	simm.s32 $0x8000;
	s14 =	simm.s32 $0x0;
	s6 =	ssub.s32 $0x1000, s2  }
0x7: {  	s1 =	rddreg [dreg:$0x2];
	_ =	strace $0x8000004A;
	s7 =	sand.u32 $0xF80, s6  }
0x8: {  	s4 =	sshll.u32 s4, $0xB;
	p0 =	sne.s32 s7, $0x0;
	s7 =	simm.s32 $0x1  }
.Ltmp0:
0x9: {  	s6 =	sshrl.u32 s6, $0xC;
	s7 =	simm.s32 @!p0 $0x0;
	(pc) =	sbr.rel .LBB1_1-.Ltmp0, $4  }
0xa: {  	s8 =	sadd.s32 s4, s5;
	s4 =	simm.s32 $0x1;
	s30 =	sadd.s32 s7, s6  }
0xb: {  	s11 =	simm.s32 $0x0;
	[sflag:s4] =	ssyncpa.u1 $0x0;
	s5 =	smul.u32 $0x64, s30  }
0xc: {  	s12 =	simm.s32 $0x0;
	[sflag:s31] =	ssyncpa.u1 $0x0;
	p0 =	por $0x0, $0x0  }
0xd: {  	s6 =	sadd.s32 $0xA00, s8;
	s7 =	sadd.s32 $0x10A00, s8;
	s8 =	sor.u32 $0x1, s5  }
.LBB1_7:
0xe: {  	s15 =	sadd.s32 $0x2, s11  }
0xf: {  	p2 =	sgt.s32 s15, $0xC7  }
0x10: {  	s15 =	simm.s32 @p2 $0x0;
	p2 =	sne.s32 s12, s8  }
.Ltmp1:
0x11: {  	p1 =	slt.u32 s12, $0x2;
	(pc) =	sbr.rel @!p2 .LBB1_8-.Ltmp1, $4  }
0x12: {  	s13 =	simm.s32 @!p1 $0x2  }
0x13: {  	s16 =	sadd.s32 $0x1, s12;
	s14 =	smov.u32 s11;
	_ =	swait.ge @!p1 [sflag:s13], $0x4000  }
0x14: {  	p0 =	por !p0, !p0;
	s12 =	smov.u32 s16;
	[sflag:s13] =	ssyncset.done @!p1 $0x0  }
0x15: {  	s11 =	smov.u32 s15;
	[sflag:s13] =	ssyncadd.s32 @!p1 $0xFFFFC000;
	s13 =	smov.u32 s2  }
.LBB1_1:
0x16: {  	p1 =	sge.u32 s12, s5  }
0x17: {  	s15 =	sxor.u32 @!p1 $0xFFFFFFFF, s12  }
0x18: {  	s16 =	sshll.u32 @!p1 s11, $0x10;
	s18 =	simm.s32 @!p1 $0x40;
	s15 =	sshll.u32 @!p1 s15, $0xE  }
0x19: {  	s19 =	simm.s32 @!p1 $0x80;
	s17 =	sadd.s32 @!p1 s16, s6;
	s15 =	sand.u32 @!p1 $0x4000, s15  }
0x1a: {  	[tilespmem:s15], [sflag:$0x1] =	stream.strided.gather @!p1 [hbm4b:s17+s18], $0x2000, s19, s18, $0x38;
	[tilespmem:$0x10100] =	vst v63  }
0x1b: {  	s31 =	sadd.s32 $0xFFFFFFFF, s12;
	s16 =	sadd.s32 @!p1 s16, s7;
	s15 =	sor.u32 @!p1 $0x2000, s15  }
0x1c: {  	[tilespmem:s15], [sflag:$0x1] =	stream.strided.gather @!p1 [hbm4b:s16+s18], $0x2000, s19, s18, $0x38;
	[tilespmem:$0x10100] =	vst v63  }
0x1d: {  	p1 =	sge.u32 s31, s5  }
.Ltmp2:
0x1e: {  	_ = 	snop;
	(pc) =	sbr.rel @p1 .LBB1_7-.Ltmp2, $1  }
0x1f: {  	_ =	sdelay $0x3  }
0x20: {  	s15 =	simm.s32 $0x1;
	s17 =	sand.u32 $0x1, s12  }
0x21: {  	_ =	swait.ge [sflag:s4], $0x4000;
	s15 =	simm.s32 @!p0 $0x0;
	s17 =	smul.u32 $0x10200, s17  }
0x22: {  	p2 =	por $0x1, $0x1;
	[sflag:s4] =	ssyncset.done $0x0;
	s16 =	smul.u32 $0x10200, s15  }
0x23: {  	s18 =	sshll.u32 s15, $0x10;
	[sflag:s4] =	ssyncadd.s32 $0xFFFFC000;
	s30 =	sshrl.u32 s17, $0x2  }
0x24: {  	s31 =	sshrl.u32 s18, $0x2;
	s18 =	simm.s32 $0x0;
	s16 =	sshrl.u32 s16, $0x2  }
0x25: {  	s15 =	sor.u32 $0x8000, s30;
	s17 =	sadd.s32 $0x20, s31;
	s16 =	sor.u32 $0x8000, s16  }
.LBB1_3:
0x26: {  	s19 =	sshll.u32 s18, $0xD  }
0x27: {  	s19 =	sand.u32 $0x3FFFE000, s19  }
0x28: {  	s21 =	sadd.s32 s19, s17  }
0x29: {  	s31 =	smul.u32 $0x8100, s18;
	v3 =	vld [tilespmem:s21+$0x10]  }
0x2a: {  	v1 =	vld [tilespmem:s21+$0xFFFFFFF0]  }
0x2b: {  	s18 =	sshra.s32 s31, $0x2;
	v0 =	vld [tilespmem:s21+$0x0]  }
0x2c: {  	s18 =	sadd.s32 s18, s16;
	v2 =	vld [tilespmem:s21+$0xFFFFFFE0]  }
0x2d: {  	s19 =	sadd.s32 $0x0, s18  }
0x2e: {  	p1 =	por p2, p2;
	s20 =	simm.s32 $0x4;
	s21 =	sadd.s32 $0x40, s21;
	[tilespmem:s19+$0x1830 ss:$0x81] =	vst.msk $0xffff, v3  }
.LBB1_4:
0x2f: {  	v3 =	vld [tilespmem:s21+$0x10];
	p2 =	sne.s32 s20, $0x1FC;
	[tilespmem:s19+$0x810 ss:$0x81] =	vst.msk $0xffff, v1;
	s22 =	smov.u32 s20;
	s20 =	sadd.s32 $0x4, s20  }
.Ltmp3:
0x30: {  	v1 =	vld [tilespmem:s21+$0xFFFFFFF0];
	[tilespmem:s19+$0x1020 ss:$0x81] =	vst.msk $0xffff, v0;
	(pc) =	sbr.rel @p2 .LBB1_4-.Ltmp3, $4  }
0x31: {  	v0 =	vld [tilespmem:s21+$0x0];
	[tilespmem:s19+$0x0 ss:$0x81] =	vst.msk $0xffff, v2  }
0x32: {  	s19 =	sshra.s32 s22, $0x2;
	v2 =	vld [tilespmem:s21+$0xFFFFFFE0]  }
0x33: {  	s19 =	sadd.s32 s19, s18  }
0x34: {  	s21 =	sadd.s32 $0x40, s21;
	[tilespmem:s19+$0x1830 ss:$0x81] =	vst.msk $0xffff, v3  }
.Ltmp4:
0x35: {  	(pc) =	sbr.rel @p1 .LBB1_3-.Ltmp4, $4  }
0x36: {  	_ = 	snop  }
0x37: {  	[tilespmem:s19+$0x810 ss:$0x81] =	vst.msk $0xffff, v1  }
0x38: {  	[tilespmem:s19+$0x1020 ss:$0x81] =	vst.msk $0xffff, v0  }
0x39: {  	s18 =	simm.s32 $0x1;
	p2 =	por $0x0, $0x0;
	[tilespmem:s19+$0x0 ss:$0x81] =	vst.msk $0xffff, v2  }
.Ltmp5:
0x3a: {  	(pc) =	sbr.rel .LBB1_7-.Ltmp5, $4  }
0x3b: {  	s14 =	sshll.u32 s14, $0xF  }
0x3c: {  	s14 =	sadd.s32 s3, s14  }
0x3d: {  	s13 =	sadd.s32 s13, s14  }
0x3e: {  	[hbm4b:s13+s9] =	stream.strided.scatter [tilespmem:s15], [sflag:$0x2], $0x4000, s10, s9, $0x20;
	[tilespmem:$0x10100] =	vst v63  }
.LBB1_8:
0x3f: {  	_ =	sfence.sel $0x180000  }
0x40: {  	s2 =	simm.s32 $0x1;
	[bflag:$0x0] =	sbarrier.arrive $0xFFFF  }
0x41: {  	s31 =	simm.s32 $0x2;
	[sflag:s2] =	ssyncpa.u1 $0x1  }
0x42: {  	[sflag:s31] =	ssyncpa.u1 $0x1  }
0x43: {  	p0 =	sne.s32 s0, $0x0;
	_ =	strace $0x9000004A  }
0x44: {  	s0 =	sadd.s32 @!p0 $0x100000, s1;
	[bflag:$0x2] =	sbarrier.arrive $0xFFFF  }
0x45: {  	[sflag:s0] =	ssyncadd.tile.s32 @!p0 $0x1;
	_ =	shalt  }
.Lfunc_end1:
_tile_overlayer_lowered:
.L_overlay_start_2:
0x46: {  	(tag) =	ssettag $0x2  }
0x47: {  	s0 =	rddreg [dreg:$0x0];
	s2 =	stileid.u32  }
0x48: {  	s1 =	rddreg [dreg:$0x1];
	p0 =	sne.s32 s2, $0x0  }
0x49: {  	s3 =	rddreg [dreg:$0x2];
	[bflag:$0x3] =	sbarrier.arrive $0xFFFF;
	s2 =	simm.s32 @!p0 $0x1C01  }
0x4a: {  	[timem:s3], [sflag:s2] =	dma.local @!p0 [hbm:s0], s1  }
0x4b: {  	s0 =	simm.s32 @!p0 $0x1  }
0x4c: {  	_ =	swait.ge @!p0 [sflag:s0], s1  }
0x4d: {  	s1 =	ssub.s32 @!p0 $0x0, s1;
	[sflag:s0] =	ssyncset.done @!p0 $0x0  }
0x4e: {  	[sflag:s0] =	ssyncadd.s32 @!p0 s1  }
0x4f: {  	[bflag:$0x3] =	sbarrier.arrive $0xFFFF  }
0x50: {  	_ =	shalt  }

</sc_bundles>
